<compile_context>
chip_gen: v7x
topology: tpu7x:2x2x1
jax: 0.10.2.dev20260603
libtpu: 0.0.44.dev20260713+nightly
codegen_flags: <defaults>
</compile_context>

<pallas_src>
import functools

import jax
import jax.numpy as jnp
from jax import lax
from jax.experimental import layout as jex_layout
from jax.experimental import pallas as pl
from jax.experimental.pallas import tpu as pltpu
from jax.experimental.pallas import tpu_sc as plsc

_V = 10000
_E = 40000
_D = 64

_NC = 2
_NS = 16
_L = 16

_OWN = _E // _NS
_WIN = 2512
_CHUNK = 128
_NFULL = 19
_TAIL_OFF = _WIN - _CHUNK
_VHALF = _V // _NC
_DUMMY = _VHALF
_ACC_ROWS = 5184
_ZROWS = _ACC_ROWS // _NS
_OUT_ROWS = 312
_HBUF = 384

_CHUNK_OFF = [k * _CHUNK for k in range(_NFULL)] + [_TAIL_OFF]
_PIECES = [
    (0, _HBUF, range(0, 3)),
    (_HBUF, _HBUF, range(3, 6)),
    (2 * _HBUF, _HBUF, range(6, 9)),
    (3 * _HBUF, _HBUF, range(9, 12)),
    (4 * _HBUF, _HBUF, range(12, 15)),
    (5 * _HBUF, _HBUF, range(15, 18)),
    (6 * _HBUF, _WIN - 6 * _HBUF, range(18, _NFULL + 1)),
]

_mesh = plsc.VectorSubcoreMesh(
    core_axis_name="c", subcore_axis_name="s",
    num_cores=_NC, num_subcores=_NS)


@functools.partial(
    pl.kernel,
    out_type=jax.ShapeDtypeStruct((_V, 2 * _D), jnp.float32),
    mesh=_mesh,
    scratch_types=[
        pltpu.VMEM((_WIN,), jnp.int32),
        pltpu.VMEM((_NFULL + 1, _CHUNK), jnp.int32),
        pltpu.VMEM((_HBUF, _D), jnp.float32),
        pltpu.VMEM((_HBUF, _D), jnp.float32),
        pltpu.VMEM((_HBUF, _D), jnp.float32),
        pltpu.VMEM((_HBUF, _D), jnp.float32),
        pltpu.VMEM_SHARED((_ACC_ROWS, _D), jnp.float32),
        pltpu.SemaphoreType.DMA,
        pltpu.SemaphoreType.DMA,
        pltpu.SemaphoreType.DMA,
        pltpu.SemaphoreType.DMA,
    ],
    compiler_params=pltpu.CompilerParams(use_tc_tiling_on_sc=False),
)
def _aggr_sum(h_hbm, idx_hbm, out_hbm,
              ibuf1d, ibuf, hbuf0, hbuf1, hbuf2, hbuf3, acc,
              sem_i, sem_h, sem_z, sem_s):
    c = lax.axis_index("c")
    s = lax.axis_index("s")
    lo_e = s * _OWN
    w = (lo_e // _L) * _L
    c_lo = c * _VHALF

    hbufs = [hbuf0, hbuf1, hbuf2, hbuf3]
    nbuf = len(hbufs)

    def _load(p):
        off, rows, _ = _PIECES[p]
        return pltpu.async_copy(
            h_hbm.at[pl.ds(w + off, rows), pl.ds(0, _D)],
            hbufs[p % nbuf].at[pl.ds(0, rows)], sem_h)

    d_idx = pltpu.async_copy(idx_hbm.at[pl.ds(w, _WIN)], ibuf1d, sem_i)
    d_h = [None] * len(_PIECES)
    for p in range(nbuf):
        d_h[p] = _load(p)
    d_z = pltpu.async_copy(
        h_hbm.at[pl.ds(s * _ZROWS, _ZROWS), pl.ds(_D, _D)],
        acc.at[pl.ds(s * _ZROWS, _ZROWS)], sem_z)

    d_idx.wait()
    iota = lax.broadcasted_iota(jnp.int32, (_L,), 0)

    def _remap(i, _):
        k = i // (_CHUNK // _L)
        j = i - k * (_CHUNK // _L)
        off = jnp.where(k < _NFULL, k * _CHUNK, _TAIL_OFF)
        g_lo = jnp.where(k < _NFULL, lo_e, w + _NFULL * _CHUNK)
        g = w + off + j * _L + iota
        v = ibuf1d[pl.ds(off + j * _L, _L)]
        own = (g >= g_lo) & (g < lo_e + _OWN)
        keep = own & (v >= c_lo) & (v < c_lo + _VHALF)
        dummy = _DUMMY + (g & (_L * 8 - 1))
        ibuf[k, pl.ds(j * _L, _L)] = jnp.where(keep, v - c_lo, dummy)
        return 0

    lax.fori_loop(0, (_NFULL + 1) * (_CHUNK // _L), _remap, 0)

    d_z.wait()
    plsc.subcore_barrier()

    d_sc = [None] * len(_PIECES)
    for p, (off, rows, chunks) in enumerate(_PIECES):
        d_h[p].wait()
        d_sc[p] = [
            pltpu.async_copy(
                hbufs[p % nbuf].at[pl.ds(_CHUNK_OFF[k] - off, _CHUNK)],
                acc.at[ibuf.at[k]], sem_s, add=True)
            for k in chunks
        ]
        if p + nbuf < len(_PIECES):
            for d in d_sc[p]:
                d.wait()
            d_sc[p] = []
            d_h[p + nbuf] = _load(p + nbuf)
    for descs in d_sc:
        for d in descs:
            d.wait()

    plsc.subcore_barrier()

    r = s * _OUT_ROWS
    pltpu.sync_copy(acc.at[pl.ds(r, _OUT_ROWS)],
                    out_hbm.at[pl.ds(c_lo + r, _OUT_ROWS), pl.ds(0, _D)])

    @pl.when(s == 0)
    def _():
        tail = _NS * _OUT_ROWS
        pltpu.sync_copy(
            acc.at[pl.ds(tail, _VHALF - tail)],
            out_hbm.at[pl.ds(c_lo + tail, _VHALF - tail), pl.ds(0, _D)])


def kernel(H, X_node):
    def _linear(x):
        lay = jex_layout.Layout(tuple(range(x.ndim)), tiling=())
        return jex_layout.with_layout_constraint(x, lay)

    h128 = _linear(jnp.pad(H, ((0, 0), (0, _D))))
    out128 = _linear(_aggr_sum(h128, _linear(X_node.astype(jnp.int32))))
    return out128[:, :_D]

# --- scband reference (transcript-rebuilt; emitter-appended) ---
"""Pipeline reference for scband-aggr-sum-6846177869845 (READ-ONLY COPY).

The authoritative reference and input builder live on the scoring server;
editing this copy changes nothing except your own understanding.
"""

import jax, jax.numpy as jnp
import numpy as np

V = 10000
E = 40000
D = 64

def setup_inputs(seed: int = 0) -> dict:
    key = jax.random.key(seed)
    k1, k2 = jax.random.split(key)
    H = jax.random.normal(k1, (E, D), dtype=jnp.float32)
    X_node = jax.random.randint(k2, (E,), 0, V, dtype=jnp.int32)
    return {"H": H, "X_node": X_node}

def reference(H, X_node):
    # Original torch code builds mask[v, e] = float(X_node[e] == v) of shape [V, E]
    # and computes mask @ H. That dense matmul is mathematically exactly a
    # segment-sum of H rows into V buckets keyed by X_node, which is the
    # SparseCore-friendly scatter-add formulation used here.
    out = jnp.zeros((V, H.shape[1]), dtype=H.dtype).at[X_node].add(H)
    return out

if __name__ == "__main__":
    import jax
    _d = setup_inputs()
    print(jax.jit(kernel)(*tuple(_d.values())))

</pallas_src>

<mosaic_0001>
#map = affine_map<(d0, d1) -> (0, 0)>
#map1 = affine_map<(d0, d1) -> (0)>
module attributes {stable_mosaic.version = 14 : i64} {
  func.func @_aggr_sum(%arg0: i32, %arg1: i32, %arg2: memref<40000x128xf32, #tpu.memory_space<hbm>>, %arg3: memref<40000xi32, #tpu.memory_space<hbm>>, %arg4: memref<10000x128xf32, #tpu.memory_space<hbm>>, %arg5: memref<2512xi32, #tpu.memory_space<vmem>>, %arg6: memref<20x128xi32, #tpu.memory_space<vmem>>, %arg7: memref<384x64xf32, #tpu.memory_space<vmem>>, %arg8: memref<384x64xf32, #tpu.memory_space<vmem>>, %arg9: memref<384x64xf32, #tpu.memory_space<vmem>>, %arg10: memref<384x64xf32, #tpu.memory_space<vmem>>, %arg11: memref<5184x64xf32, #tpu.memory_space<vmem_shared>>, %arg12: memref<!tpu.dma_semaphore, #tpu.memory_space<semaphore_mem>>, %arg13: memref<!tpu.dma_semaphore, #tpu.memory_space<semaphore_mem>>, %arg14: memref<!tpu.dma_semaphore, #tpu.memory_space<semaphore_mem>>, %arg15: memref<!tpu.dma_semaphore, #tpu.memory_space<semaphore_mem>>) attributes {dimension_semantics = [#tpu.dimension_semantics<core_parallel>, #tpu.dimension_semantics<subcore_parallel>], iteration_bounds = array<i64: 2, 16>, scalar_prefetch = 0 : i64, scratch_operands = 11 : i64, tpu.core_type = #tpu.core_type<sc_vector_subcore>, window_params = [{transform_indices = #map}, {transform_indices = #map1}, {transform_indices = #map}]} {
    %mul3A = arith.constant 2500 : i32
    %mul3A_0 = arith.muli %arg1, %mul3A : i32
    %jit3A = arith.constant 16 : i32
    %div3A = arith.divsi %mul3A_0, %jit3A : i32
    %sign3A = arith.constant 0 : i32
    %sign3A_1 = arith.cmpi sgt, %mul3A_0, %sign3A : i32
    %sign3A_2 = arith.extui %sign3A_1 : i1 to i32
    %sign3A_3 = arith.constant 0 : i32
    %sign3A_4 = arith.cmpi slt, %mul3A_0, %sign3A_3 : i32
    %sign3A_5 = arith.extui %sign3A_4 : i1 to i32
    %sign3A_6 = arith.subi %sign3A_2, %sign3A_5 : i32
    %sign3A_7 = arith.constant 0 : i32
    %sign3A_8 = arith.cmpi sgt, %jit3A, %sign3A_7 : i32
    %sign3A_9 = arith.extui %sign3A_8 : i1 to i32
    %sign3A_10 = arith.constant 0 : i32
    %sign3A_11 = arith.cmpi slt, %jit3A, %sign3A_10 : i32
    %sign3A_12 = arith.extui %sign3A_11 : i1 to i32
    %sign3A_13 = arith.subi %sign3A_9, %sign3A_12 : i32
    %ne3A = arith.cmpi ne, %sign3A_6, %sign3A_13 : i32
    %rem3A = arith.remsi %mul3A_0, %jit3A : i32
    %ne3A_14 = arith.constant 0 : i32
    %ne3A_15 = arith.cmpi ne, %rem3A, %ne3A_14 : i32
    %and3A = arith.andi %ne3A, %ne3A_15 : i1
    %sub3A = arith.constant 1 : i32
    %sub3A_16 = arith.subi %div3A, %sub3A : i32
    %select_n3A = arith.select %and3A, %sub3A_16, %div3A : i32
    %mul3A_17 = arith.constant 16 : i32
    %mul3A_18 = arith.muli %select_n3A, %mul3A_17 : i32
    %mul3A_19 = arith.constant 5000 : i32
    %mul3A_20 = arith.muli %arg0, %mul3A_19 : i32
    %dma_start3A = tpu.memref_slice %arg3[%mul3A_18] : memref<40000xi32, #tpu.memory_space<hbm>> -> memref<2512xi32, #tpu.memory_space<hbm>>
    %dma_start3A_21 = tpu.memref_slice %arg3[%mul3A_18] : memref<40000xi32, #tpu.memory_space<hbm>> -> memref<2512xi32, #tpu.memory_space<hbm>>
    tpu.enqueue_dma source(%dma_start3A_21 : memref<2512xi32, #tpu.memory_space<hbm>>) target(%arg5 : memref<2512xi32, #tpu.memory_space<vmem>>) target_semaphore(%arg12 : memref<!tpu.dma_semaphore, #tpu.memory_space<semaphore_mem>>)
    %add3A = arith.constant 0 : i32
    %add3A_22 = arith.addi %mul3A_18, %add3A : i32
    %dma_start3A_23 = arith.constant 0 : i32
    %dma_start3A_24 = arith.constant 0 : i32
    %dma_start3A_25 = tpu.memref_slice %arg7[%dma_start3A_23, %dma_start3A_24] : memref<384x64xf32, #tpu.memory_space<vmem>> -> memref<384x64xf32, #tpu.memory_space<vmem>>
    %dma_start3A_26 = arith.constant 0 : i32
    %dma_start3A_27 = tpu.memref_slice %arg2[%add3A_22, %dma_start3A_26] : memref<40000x128xf32, #tpu.memory_space<hbm>> -> memref<384x64xf32, #tpu.memory_space<hbm>>
    %dma_start3A_28 = arith.constant 0 : i32
    %dma_start3A_29 = arith.constant 0 : i32
    %dma_start3A_30 = tpu.memref_slice %arg7[%dma_start3A_28, %dma_start3A_29] : memref<384x64xf32, #tpu.memory_space<vmem>> -> memref<384x64xf32, #tpu.memory_space<vmem>>
    %dma_start3A_31 = arith.constant 0 : i32
    %dma_start3A_32 = tpu.memref_slice %arg2[%add3A_22, %dma_start3A_31] : memref<40000x128xf32, #tpu.memory_space<hbm>> -> memref<384x64xf32, #tpu.memory_space<hbm>>
    tpu.enqueue_dma source(%dma_start3A_32 : memref<384x64xf32, #tpu.memory_space<hbm>>) target(%dma_start3A_30 : memref<384x64xf32, #tpu.memory_space<vmem>>) target_semaphore(%arg13 : memref<!tpu.dma_semaphore, #tpu.memory_space<semaphore_mem>>)
    %add3A_33 = arith.constant 384 : i32
    %add3A_34 = arith.addi %mul3A_18, %add3A_33 : i32
    %dma_start3A_35 = arith.constant 0 : i32
    %dma_start3A_36 = arith.constant 0 : i32
    %dma_start3A_37 = tpu.memref_slice %arg8[%dma_start3A_35, %dma_start3A_36] : memref<384x64xf32, #tpu.memory_space<vmem>> -> memref<384x64xf32, #tpu.memory_space<vmem>>
    %dma_start3A_38 = arith.constant 0 : i32
    %dma_start3A_39 = tpu.memref_slice %arg2[%add3A_34, %dma_start3A_38] : memref<40000x128xf32, #tpu.memory_space<hbm>> -> memref<384x64xf32, #tpu.memory_space<hbm>>
    %dma_start3A_40 = arith.constant 0 : i32
    %dma_start3A_41 = arith.constant 0 : i32
    %dma_start3A_42 = tpu.memref_slice %arg8[%dma_start3A_40, %dma_start3A_41] : memref<384x64xf32, #tpu.memory_space<vmem>> -> memref<384x64xf32, #tpu.memory_space<vmem>>
    %dma_start3A_43 = arith.constant 0 : i32
    %dma_start3A_44 = tpu.memref_slice %arg2[%add3A_34, %dma_start3A_43] : memref<40000x128xf32, #tpu.memory_space<hbm>> -> memref<384x64xf32, #tpu.memory_space<hbm>>
    tpu.enqueue_dma source(%dma_start3A_44 : memref<384x64xf32, #tpu.memory_space<hbm>>) target(%dma_start3A_42 : memref<384x64xf32, #tpu.memory_space<vmem>>) target_semaphore(%arg13 : memref<!tpu.dma_semaphore, #tpu.memory_space<semaphore_mem>>)
    %add3A_45 = arith.constant 768 : i32
    %add3A_46 = arith.addi %mul3A_18, %add3A_45 : i32
    %dma_start3A_47 = arith.constant 0 : i32
    %dma_start3A_48 = arith.constant 0 : i32
    %dma_start3A_49 = tpu.memref_slice %arg9[%dma_start3A_47, %dma_start3A_48] : memref<384x64xf32, #tpu.memory_space<vmem>> -> memref<384x64xf32, #tpu.memory_space<vmem>>
    %dma_start3A_50 = arith.constant 0 : i32
    %dma_start3A_51 = tpu.memref_slice %arg2[%add3A_46, %dma_start3A_50] : memref<40000x128xf32, #tpu.memory_space<hbm>> -> memref<384x64xf32, #tpu.memory_space<hbm>>
    %dma_start3A_52 = arith.constant 0 : i32
    %dma_start3A_53 = arith.constant 0 : i32
    %dma_start3A_54 = tpu.memref_slice %arg9[%dma_start3A_52, %dma_start3A_53] : memref<384x64xf32, #tpu.memory_space<vmem>> -> memref<384x64xf32, #tpu.memory_space<vmem>>
    %dma_start3A_55 = arith.constant 0 : i32
    %dma_start3A_56 = tpu.memref_slice %arg2[%add3A_46, %dma_start3A_55] : memref<40000x128xf32, #tpu.memory_space<hbm>> -> memref<384x64xf32, #tpu.memory_space<hbm>>
    tpu.enqueue_dma source(%dma_start3A_56 : memref<384x64xf32, #tpu.memory_space<hbm>>) target(%dma_start3A_54 : memref<384x64xf32, #tpu.memory_space<vmem>>) target_semaphore(%arg13 : memref<!tpu.dma_semaphore, #tpu.memory_space<semaphore_mem>>)
    %add3A_57 = arith.constant 1152 : i32
    %add3A_58 = arith.addi %mul3A_18, %add3A_57 : i32
    %dma_start3A_59 = arith.constant 0 : i32
    %dma_start3A_60 = arith.constant 0 : i32
    %dma_start3A_61 = tpu.memref_slice %arg10[%dma_start3A_59, %dma_start3A_60] : memref<384x64xf32, #tpu.memory_space<vmem>> -> memref<384x64xf32, #tpu.memory_space<vmem>>
    %dma_start3A_62 = arith.constant 0 : i32
    %dma_start3A_63 = tpu.memref_slice %arg2[%add3A_58, %dma_start3A_62] : memref<40000x128xf32, #tpu.memory_space<hbm>> -> memref<384x64xf32, #tpu.memory_space<hbm>>
    %dma_start3A_64 = arith.constant 0 : i32
    %dma_start3A_65 = arith.constant 0 : i32
    %dma_start3A_66 = tpu.memref_slice %arg10[%dma_start3A_64, %dma_start3A_65] : memref<384x64xf32, #tpu.memory_space<vmem>> -> memref<384x64xf32, #tpu.memory_space<vmem>>
    %dma_start3A_67 = arith.constant 0 : i32
    %dma_start3A_68 = tpu.memref_slice %arg2[%add3A_58, %dma_start3A_67] : memref<40000x128xf32, #tpu.memory_space<hbm>> -> memref<384x64xf32, #tpu.memory_space<hbm>>
    tpu.enqueue_dma source(%dma_start3A_68 : memref<384x64xf32, #tpu.memory_space<hbm>>) target(%dma_start3A_66 : memref<384x64xf32, #tpu.memory_space<vmem>>) target_semaphore(%arg13 : memref<!tpu.dma_semaphore, #tpu.memory_space<semaphore_mem>>)
    %mul3A_69 = arith.constant 324 : i32
    %mul3A_70 = arith.muli %arg1, %mul3A_69 : i32
    %mul3A_71 = arith.constant 324 : i32
    %mul3A_72 = arith.muli %arg1, %mul3A_71 : i32
    %dma_start3A_73 = arith.constant 0 : i32
    %dma_start3A_74 = tpu.memref_slice %arg11[%mul3A_72, %dma_start3A_73] : memref<5184x64xf32, #tpu.memory_space<vmem_shared>> -> memref<324x64xf32, #tpu.memory_space<vmem_shared>>
    %dma_start3A_75 = arith.constant 64 : i32
    %dma_start3A_76 = tpu.memref_slice %arg2[%mul3A_70, %dma_start3A_75] : memref<40000x128xf32, #tpu.memory_space<hbm>> -> memref<324x64xf32, #tpu.memory_space<hbm>>
    tpu.enqueue_dma source(%dma_start3A_76 : memref<324x64xf32, #tpu.memory_space<hbm>>) target(%dma_start3A_74 : memref<324x64xf32, #tpu.memory_space<vmem_shared>>) target_semaphore(%arg14 : memref<!tpu.dma_semaphore, #tpu.memory_space<semaphore_mem>>)
    %dma_wait3A = tpu.memref_slice %arg3[%mul3A_18] : memref<40000xi32, #tpu.memory_space<hbm>> -> memref<2512xi32, #tpu.memory_space<hbm>>
    %dma_wait3A_77 = tpu.memref_slice %arg3[%mul3A_18] : memref<40000xi32, #tpu.memory_space<hbm>> -> memref<2512xi32, #tpu.memory_space<hbm>>
    tpu.wait_dma2 semaphore(%arg12 : memref<!tpu.dma_semaphore, #tpu.memory_space<semaphore_mem>>) src(%dma_wait3A_77 : memref<2512xi32, #tpu.memory_space<hbm>>) dst(%arg5 : memref<2512xi32, #tpu.memory_space<vmem>>)
    %iota3A = tpu.iota {dimensions = array<i32: 0>} : vector<16xi32>
    %scan3A = arith.constant 0 : i32
    %scan3A_78 = arith.constant 0 : i32
    %scan3A_79 = arith.constant 160 : i32
    %scan3A_80 = arith.addi %scan3A_78, %scan3A_79 : i32
    %scan3A_81 = arith.constant 1 : i32
    %scan3A_82 = scf.for %scan3A_600 = %scan3A_78 to %scan3A_80 step %scan3A_81 iter_args(%scan3A_601 = %scan3A) -> (i32)  : i32 {
      %jit3A_602 = arith.constant 8 : i32
      %div3A_603 = arith.divsi %scan3A_600, %jit3A_602 : i32
      %sign3A_604 = arith.constant 0 : i32
      %sign3A_605 = arith.cmpi sgt, %scan3A_600, %sign3A_604 : i32
      %sign3A_606 = arith.extui %sign3A_605 : i1 to i32
      %sign3A_607 = arith.constant 0 : i32
      %sign3A_608 = arith.cmpi slt, %scan3A_600, %sign3A_607 : i32
      %sign3A_609 = arith.extui %sign3A_608 : i1 to i32
      %sign3A_610 = arith.subi %sign3A_606, %sign3A_609 : i32
      %sign3A_611 = arith.constant 0 : i32
      %sign3A_612 = arith.cmpi sgt, %jit3A_602, %sign3A_611 : i32
      %sign3A_613 = arith.extui %sign3A_612 : i1 to i32
      %sign3A_614 = arith.constant 0 : i32
      %sign3A_615 = arith.cmpi slt, %jit3A_602, %sign3A_614 : i32
      %sign3A_616 = arith.extui %sign3A_615 : i1 to i32
      %sign3A_617 = arith.subi %sign3A_613, %sign3A_616 : i32
      %ne3A_618 = arith.cmpi ne, %sign3A_610, %sign3A_617 : i32
      %rem3A_619 = arith.remsi %scan3A_600, %jit3A_602 : i32
      %ne3A_620 = arith.constant 0 : i32
      %ne3A_621 = arith.cmpi ne, %rem3A_619, %ne3A_620 : i32
      %and3A_622 = arith.andi %ne3A_618, %ne3A_621 : i1
      %sub3A_623 = arith.constant 1 : i32
      %sub3A_624 = arith.subi %div3A_603, %sub3A_623 : i32
      %select_n3A_625 = arith.select %and3A_622, %sub3A_624, %div3A_603 : i32
      %mul3A_626 = arith.constant 8 : i32
      %mul3A_627 = arith.muli %select_n3A_625, %mul3A_626 : i32
      %sub3A_628 = arith.subi %scan3A_600, %mul3A_627 : i32
      %lt3A = arith.constant 19 : i32
      %lt3A_629 = arith.cmpi slt, %select_n3A_625, %lt3A : i32
      %mul3A_630 = arith.constant 128 : i32
      %mul3A_631 = arith.muli %select_n3A_625, %mul3A_630 : i32
      %jit3A_632 = arith.constant 2384 : i32
      %select_n3A_633 = arith.select %lt3A_629, %mul3A_631, %jit3A_632 : i32
      %lt3A_634 = arith.constant 19 : i32
      %lt3A_635 = arith.cmpi slt, %select_n3A_625, %lt3A_634 : i32
      %add3A_636 = arith.constant 2432 : i32
      %add3A_637 = arith.addi %mul3A_18, %add3A_636 : i32
      %select_n3A_638 = arith.select %lt3A_635, %mul3A_0, %add3A_637 : i32
      %add3A_639 = arith.addi %mul3A_18, %select_n3A_633 : i32
      %mul3A_640 = arith.constant 16 : i32
      %mul3A_641 = arith.muli %sub3A_628, %mul3A_640 : i32
      %add3A_642 = arith.addi %add3A_639, %mul3A_641 : i32
      %add3A_643 = vector.broadcast %add3A_642 : i32 to vector<16xi32>
      %add3A_644 = arith.addi %add3A_643, %iota3A : vector<16xi32>
      %mul3A_645 = arith.constant 16 : i32
      %mul3A_646 = arith.muli %sub3A_628, %mul3A_645 : i32
      %add3A_647 = arith.addi %select_n3A_633, %mul3A_646 : i32
      %get3A = arith.index_cast %add3A_647 : i32 to index
      %get3A_648 = tpu.vector_load %arg5[%get3A] {strides = array<i32>} : memref<2512xi32, #tpu.memory_space<vmem>>, vector<16xi32>,
      %get3A_649 = vector.shape_cast %get3A_648 : vector<16xi32> to vector<16xi32>
      %ge3A = vector.broadcast %select_n3A_638 : i32 to vector<16xi32>
      %ge3A_650 = arith.cmpi sge, %add3A_644, %ge3A : vector<16xi32>
      %add3A_651 = arith.constant 2500 : i32
      %add3A_652 = arith.addi %mul3A_0, %add3A_651 : i32
      %lt3A_653 = vector.broadcast %add3A_652 : i32 to vector<16xi32>
      %lt3A_654 = arith.cmpi slt, %add3A_644, %lt3A_653 : vector<16xi32>
      %and3A_655 = arith.andi %ge3A_650, %lt3A_654 : vector<16xi1>
      %ge3A_656 = vector.broadcast %mul3A_20 : i32 to vector<16xi32>
      %ge3A_657 = arith.cmpi sge, %get3A_649, %ge3A_656 : vector<16xi32>
      %and3A_658 = arith.andi %and3A_655, %ge3A_657 : vector<16xi1>
      %add3A_659 = arith.constant 5000 : i32
      %add3A_660 = arith.addi %mul3A_20, %add3A_659 : i32
      %lt3A_661 = vector.broadcast %add3A_660 : i32 to vector<16xi32>
      %lt3A_662 = arith.cmpi slt, %get3A_649, %lt3A_661 : vector<16xi32>
      %and3A_663 = arith.andi %and3A_658, %lt3A_662 : vector<16xi1>
      %and3A_664 = arith.constant 127 : i32
      %and3A_665 = vector.broadcast %and3A_664 : i32 to vector<16xi32>
      %and3A_666 = arith.andi %add3A_644, %and3A_665 : vector<16xi32>
      %add3A_667 = arith.constant 5000 : i32
      %add3A_668 = vector.broadcast %add3A_667 : i32 to vector<16xi32>
      %add3A_669 = arith.addi %add3A_668, %and3A_666 : vector<16xi32>
      %sub3A_670 = vector.broadcast %mul3A_20 : i32 to vector<16xi32>
      %sub3A_671 = arith.subi %get3A_649, %sub3A_670 : vector<16xi32>
      %select_n3A_672 = arith.select %and3A_663, %sub3A_671, %add3A_669 : vector<16xi1>, vector<16xi32>
      %mul3A_673 = arith.constant 16 : i32
      %mul3A_674 = arith.muli %sub3A_628, %mul3A_673 : i32
      %swap3A = arith.index_cast %select_n3A_625 : i32 to index
      %swap3A_675 = arith.index_cast %mul3A_674 : i32 to index
      %swap3A_676 = tpu.vector_load %arg6[%swap3A, %swap3A_675] {strides = array<i32>} : memref<20x128xi32, #tpu.memory_space<vmem>>, vector<1x16xi32>,
      %swap3A_677 = vector.shape_cast %swap3A_676 : vector<1x16xi32> to vector<16xi32>
      %swap3A_678 = vector.shape_cast %select_n3A_672 : vector<16xi32> to vector<1x16xi32>
      tpu.vector_store %arg6[%swap3A, %swap3A_675], %swap3A_678 {strides = array<i32>} : memref<20x128xi32, #tpu.memory_space<vmem>>, vector<1x16xi32>,
      %scan3A_679 = arith.constant 0 : i32
      scf.yield %scan3A_679 : i32
    }
    %scan3A_83 = arith.constant 160 : i32
    %dma_wait3A_84 = arith.constant 0 : i32
    %dma_wait3A_85 = tpu.memref_slice %arg11[%mul3A_72, %dma_wait3A_84] : memref<5184x64xf32, #tpu.memory_space<vmem_shared>> -> memref<324x64xf32, #tpu.memory_space<vmem_shared>>
    %dma_wait3A_86 = arith.constant 64 : i32
    %dma_wait3A_87 = tpu.memref_slice %arg2[%mul3A_70, %dma_wait3A_86] : memref<40000x128xf32, #tpu.memory_space<hbm>> -> memref<324x64xf32, #tpu.memory_space<hbm>>
    tpu.wait_dma2 semaphore(%arg14 : memref<!tpu.dma_semaphore, #tpu.memory_space<semaphore_mem>>) src(%dma_wait3A_87 : memref<324x64xf32, #tpu.memory_space<hbm>>) dst(%dma_wait3A_85 : memref<324x64xf32, #tpu.memory_space<vmem_shared>>)
    %barrier3A = arith.constant 0 : index
    tpu.barrier barrier_id(%barrier3A)
    %dma_wait3A_88 = arith.constant 0 : i32
    %dma_wait3A_89 = arith.constant 0 : i32
    %dma_wait3A_90 = tpu.memref_slice %arg7[%dma_wait3A_88, %dma_wait3A_89] : memref<384x64xf32, #tpu.memory_space<vmem>> -> memref<384x64xf32, #tpu.memory_space<vmem>>
    %dma_wait3A_91 = arith.constant 0 : i32
    %dma_wait3A_92 = tpu.memref_slice %arg2[%add3A_22, %dma_wait3A_91] : memref<40000x128xf32, #tpu.memory_space<hbm>> -> memref<384x64xf32, #tpu.memory_space<hbm>>
    %dma_wait3A_93 = arith.constant 0 : i32
    %dma_wait3A_94 = arith.constant 0 : i32
    %dma_wait3A_95 = tpu.memref_slice %arg7[%dma_wait3A_93, %dma_wait3A_94] : memref<384x64xf32, #tpu.memory_space<vmem>> -> memref<384x64xf32, #tpu.memory_space<vmem>>
    %dma_wait3A_96 = arith.constant 0 : i32
    %dma_wait3A_97 = tpu.memref_slice %arg2[%add3A_22, %dma_wait3A_96] : memref<40000x128xf32, #tpu.memory_space<hbm>> -> memref<384x64xf32, #tpu.memory_space<hbm>>
    tpu.wait_dma2 semaphore(%arg13 : memref<!tpu.dma_semaphore, #tpu.memory_space<semaphore_mem>>) src(%dma_wait3A_97 : memref<384x64xf32, #tpu.memory_space<hbm>>) dst(%dma_wait3A_95 : memref<384x64xf32, #tpu.memory_space<vmem>>)
    %dma_start3A_98 = arith.constant 0 : i32
    %dma_start3A_99 = arith.constant 0 : i32
    %dma_start3A_100 = arith.constant 0 : i32
    %dma_start3A_101 = tpu.memref_slice %arg7[%dma_start3A_99, %dma_start3A_100] : memref<384x64xf32, #tpu.memory_space<vmem>> -> memref<128x64xf32, #tpu.memory_space<vmem>>
    %dma_start3A_102 = arith.constant 0 : i32
    %dma_start3A_103 = tpu.memref_slice %arg6[%dma_start3A_98, %dma_start3A_102] : memref<20x128xi32, #tpu.memory_space<vmem>> -> memref<1x128xi32, #tpu.memory_space<vmem>>
    %dma_start3A_104 = tpu.memref_squeeze %dma_start3A_103 : memref<1x128xi32, #tpu.memory_space<vmem>> -> memref<128xi32, #tpu.memory_space<vmem>>
    %dma_start3A_105 = arith.constant 0 : i32
    %dma_start3A_106 = arith.constant 0 : i32
    %dma_start3A_107 = tpu.memref_slice %arg11[%dma_start3A_105, %dma_start3A_106] : memref<5184x64xf32, #tpu.memory_space<vmem_shared>> -> memref<5184x64xf32, #tpu.memory_space<vmem_shared>>
    tpu.enqueue_indirect_dma source(%dma_start3A_101 : memref<128x64xf32, #tpu.memory_space<vmem>>) target(%dma_start3A_107 : memref<5184x64xf32, #tpu.memory_space<vmem_shared>>) offsets(%dma_start3A_104 : memref<128xi32, #tpu.memory_space<vmem>>) semaphore(%arg15 : memref<!tpu.dma_semaphore, #tpu.memory_space<semaphore_mem>>) {add = true}
    %dma_start3A_108 = arith.constant 1 : i32
    %dma_start3A_109 = arith.constant 128 : i32
    %dma_start3A_110 = arith.constant 0 : i32
    %dma_start3A_111 = tpu.memref_slice %arg7[%dma_start3A_109, %dma_start3A_110] : memref<384x64xf32, #tpu.memory_space<vmem>> -> memref<128x64xf32, #tpu.memory_space<vmem>>
    %dma_start3A_112 = arith.constant 0 : i32
    %dma_start3A_113 = tpu.memref_slice %arg6[%dma_start3A_108, %dma_start3A_112] : memref<20x128xi32, #tpu.memory_space<vmem>> -> memref<1x128xi32, #tpu.memory_space<vmem>>
    %dma_start3A_114 = tpu.memref_squeeze %dma_start3A_113 : memref<1x128xi32, #tpu.memory_space<vmem>> -> memref<128xi32, #tpu.memory_space<vmem>>
    %dma_start3A_115 = arith.constant 0 : i32
    %dma_start3A_116 = arith.constant 0 : i32
    %dma_start3A_117 = tpu.memref_slice %arg11[%dma_start3A_115, %dma_start3A_116] : memref<5184x64xf32, #tpu.memory_space<vmem_shared>> -> memref<5184x64xf32, #tpu.memory_space<vmem_shared>>
    tpu.enqueue_indirect_dma source(%dma_start3A_111 : memref<128x64xf32, #tpu.memory_space<vmem>>) target(%dma_start3A_117 : memref<5184x64xf32, #tpu.memory_space<vmem_shared>>) offsets(%dma_start3A_114 : memref<128xi32, #tpu.memory_space<vmem>>) semaphore(%arg15 : memref<!tpu.dma_semaphore, #tpu.memory_space<semaphore_mem>>) {add = true}
    %dma_start3A_118 = arith.constant 2 : i32
    %dma_start3A_119 = arith.constant 256 : i32
    %dma_start3A_120 = arith.constant 0 : i32
    %dma_start3A_121 = tpu.memref_slice %arg7[%dma_start3A_119, %dma_start3A_120] : memref<384x64xf32, #tpu.memory_space<vmem>> -> memref<128x64xf32, #tpu.memory_space<vmem>>
    %dma_start3A_122 = arith.constant 0 : i32
    %dma_start3A_123 = tpu.memref_slice %arg6[%dma_start3A_118, %dma_start3A_122] : memref<20x128xi32, #tpu.memory_space<vmem>> -> memref<1x128xi32, #tpu.memory_space<vmem>>
    %dma_start3A_124 = tpu.memref_squeeze %dma_start3A_123 : memref<1x128xi32, #tpu.memory_space<vmem>> -> memref<128xi32, #tpu.memory_space<vmem>>
    %dma_start3A_125 = arith.constant 0 : i32
    %dma_start3A_126 = arith.constant 0 : i32
    %dma_start3A_127 = tpu.memref_slice %arg11[%dma_start3A_125, %dma_start3A_126] : memref<5184x64xf32, #tpu.memory_space<vmem_shared>> -> memref<5184x64xf32, #tpu.memory_space<vmem_shared>>
    tpu.enqueue_indirect_dma source(%dma_start3A_121 : memref<128x64xf32, #tpu.memory_space<vmem>>) target(%dma_start3A_127 : memref<5184x64xf32, #tpu.memory_space<vmem_shared>>) offsets(%dma_start3A_124 : memref<128xi32, #tpu.memory_space<vmem>>) semaphore(%arg15 : memref<!tpu.dma_semaphore, #tpu.memory_space<semaphore_mem>>) {add = true}
    %dma_wait3A_128 = arith.constant 0 : i32
    %dma_wait3A_129 = arith.constant 0 : i32
    %dma_wait3A_130 = arith.constant 0 : i32
    %dma_wait3A_131 = tpu.memref_slice %arg7[%dma_wait3A_129, %dma_wait3A_130] : memref<384x64xf32, #tpu.memory_space<vmem>> -> memref<128x64xf32, #tpu.memory_space<vmem>>
    %dma_wait3A_132 = arith.constant 0 : i32
    %dma_wait3A_133 = tpu.memref_slice %arg6[%dma_wait3A_128, %dma_wait3A_132] : memref<20x128xi32, #tpu.memory_space<vmem>> -> memref<1x128xi32, #tpu.memory_space<vmem>>
    %dma_wait3A_134 = tpu.memref_squeeze %dma_wait3A_133 : memref<1x128xi32, #tpu.memory_space<vmem>> -> memref<128xi32, #tpu.memory_space<vmem>>
    %dma_wait3A_135 = arith.constant 0 : i32
    %dma_wait3A_136 = arith.constant 0 : i32
    %dma_wait3A_137 = tpu.memref_slice %arg11[%dma_wait3A_135, %dma_wait3A_136] : memref<5184x64xf32, #tpu.memory_space<vmem_shared>> -> memref<5184x64xf32, #tpu.memory_space<vmem_shared>>
    tpu.wait_indirect_dma semaphore(%arg15 : memref<!tpu.dma_semaphore, #tpu.memory_space<semaphore_mem>>) src(%dma_wait3A_131 : memref<128x64xf32, #tpu.memory_space<vmem>>) dst(%dma_wait3A_137 : memref<5184x64xf32, #tpu.memory_space<vmem_shared>>)
    %dma_wait3A_138 = arith.constant 1 : i32
    %dma_wait3A_139 = arith.constant 128 : i32
    %dma_wait3A_140 = arith.constant 0 : i32
    %dma_wait3A_141 = tpu.memref_slice %arg7[%dma_wait3A_139, %dma_wait3A_140] : memref<384x64xf32, #tpu.memory_space<vmem>> -> memref<128x64xf32, #tpu.memory_space<vmem>>
    %dma_wait3A_142 = arith.constant 0 : i32
    %dma_wait3A_143 = tpu.memref_slice %arg6[%dma_wait3A_138, %dma_wait3A_142] : memref<20x128xi32, #tpu.memory_space<vmem>> -> memref<1x128xi32, #tpu.memory_space<vmem>>
    %dma_wait3A_144 = tpu.memref_squeeze %dma_wait3A_143 : memref<1x128xi32, #tpu.memory_space<vmem>> -> memref<128xi32, #tpu.memory_space<vmem>>
    %dma_wait3A_145 = arith.constant 0 : i32
    %dma_wait3A_146 = arith.constant 0 : i32
    %dma_wait3A_147 = tpu.memref_slice %arg11[%dma_wait3A_145, %dma_wait3A_146] : memref<5184x64xf32, #tpu.memory_space<vmem_shared>> -> memref<5184x64xf32, #tpu.memory_space<vmem_shared>>
    tpu.wait_indirect_dma semaphore(%arg15 : memref<!tpu.dma_semaphore, #tpu.memory_space<semaphore_mem>>) src(%dma_wait3A_141 : memref<128x64xf32, #tpu.memory_space<vmem>>) dst(%dma_wait3A_147 : memref<5184x64xf32, #tpu.memory_space<vmem_shared>>)
    %dma_wait3A_148 = arith.constant 2 : i32
    %dma_wait3A_149 = arith.constant 256 : i32
    %dma_wait3A_150 = arith.constant 0 : i32
    %dma_wait3A_151 = tpu.memref_slice %arg7[%dma_wait3A_149, %dma_wait3A_150] : memref<384x64xf32, #tpu.memory_space<vmem>> -> memref<128x64xf32, #tpu.memory_space<vmem>>
    %dma_wait3A_152 = arith.constant 0 : i32
    %dma_wait3A_153 = tpu.memref_slice %arg6[%dma_wait3A_148, %dma_wait3A_152] : memref<20x128xi32, #tpu.memory_space<vmem>> -> memref<1x128xi32, #tpu.memory_space<vmem>>
    %dma_wait3A_154 = tpu.memref_squeeze %dma_wait3A_153 : memref<1x128xi32, #tpu.memory_space<vmem>> -> memref<128xi32, #tpu.memory_space<vmem>>
    %dma_wait3A_155 = arith.constant 0 : i32
    %dma_wait3A_156 = arith.constant 0 : i32
    %dma_wait3A_157 = tpu.memref_slice %arg11[%dma_wait3A_155, %dma_wait3A_156] : memref<5184x64xf32, #tpu.memory_space<vmem_shared>> -> memref<5184x64xf32, #tpu.memory_space<vmem_shared>>
    tpu.wait_indirect_dma semaphore(%arg15 : memref<!tpu.dma_semaphore, #tpu.memory_space<semaphore_mem>>) src(%dma_wait3A_151 : memref<128x64xf32, #tpu.memory_space<vmem>>) dst(%dma_wait3A_157 : memref<5184x64xf32, #tpu.memory_space<vmem_shared>>)
    %add3A_158 = arith.constant 1536 : i32
    %add3A_159 = arith.addi %mul3A_18, %add3A_158 : i32
    %dma_start3A_160 = arith.constant 0 : i32
    %dma_start3A_161 = arith.constant 0 : i32
    %dma_start3A_162 = tpu.memref_slice %arg7[%dma_start3A_160, %dma_start3A_161] : memref<384x64xf32, #tpu.memory_space<vmem>> -> memref<384x64xf32, #tpu.memory_space<vmem>>
    %dma_start3A_163 = arith.constant 0 : i32
    %dma_start3A_164 = tpu.memref_slice %arg2[%add3A_159, %dma_start3A_163] : memref<40000x128xf32, #tpu.memory_space<hbm>> -> memref<384x64xf32, #tpu.memory_space<hbm>>
    %dma_start3A_165 = arith.constant 0 : i32
    %dma_start3A_166 = arith.constant 0 : i32
    %dma_start3A_167 = tpu.memref_slice %arg7[%dma_start3A_165, %dma_start3A_166] : memref<384x64xf32, #tpu.memory_space<vmem>> -> memref<384x64xf32, #tpu.memory_space<vmem>>
    %dma_start3A_168 = arith.constant 0 : i32
    %dma_start3A_169 = tpu.memref_slice %arg2[%add3A_159, %dma_start3A_168] : memref<40000x128xf32, #tpu.memory_space<hbm>> -> memref<384x64xf32, #tpu.memory_space<hbm>>
    tpu.enqueue_dma source(%dma_start3A_169 : memref<384x64xf32, #tpu.memory_space<hbm>>) target(%dma_start3A_167 : memref<384x64xf32, #tpu.memory_space<vmem>>) target_semaphore(%arg13 : memref<!tpu.dma_semaphore, #tpu.memory_space<semaphore_mem>>)
    %dma_wait3A_170 = arith.constant 0 : i32
    %dma_wait3A_171 = arith.constant 0 : i32
    %dma_wait3A_172 = tpu.memref_slice %arg8[%dma_wait3A_170, %dma_wait3A_171] : memref<384x64xf32, #tpu.memory_space<vmem>> -> memref<384x64xf32, #tpu.memory_space<vmem>>
    %dma_wait3A_173 = arith.constant 0 : i32
    %dma_wait3A_174 = tpu.memref_slice %arg2[%add3A_34, %dma_wait3A_173] : memref<40000x128xf32, #tpu.memory_space<hbm>> -> memref<384x64xf32, #tpu.memory_space<hbm>>
    %dma_wait3A_175 = arith.constant 0 : i32
    %dma_wait3A_176 = arith.constant 0 : i32
    %dma_wait3A_177 = tpu.memref_slice %arg8[%dma_wait3A_175, %dma_wait3A_176] : memref<384x64xf32, #tpu.memory_space<vmem>> -> memref<384x64xf32, #tpu.memory_space<vmem>>
    %dma_wait3A_178 = arith.constant 0 : i32
    %dma_wait3A_179 = tpu.memref_slice %arg2[%add3A_34, %dma_wait3A_178] : memref<40000x128xf32, #tpu.memory_space<hbm>> -> memref<384x64xf32, #tpu.memory_space<hbm>>
    tpu.wait_dma2 semaphore(%arg13 : memref<!tpu.dma_semaphore, #tpu.memory_space<semaphore_mem>>) src(%dma_wait3A_179 : memref<384x64xf32, #tpu.memory_space<hbm>>) dst(%dma_wait3A_177 : memref<384x64xf32, #tpu.memory_space<vmem>>)
    %dma_start3A_180 = arith.constant 3 : i32
    %dma_start3A_181 = arith.constant 0 : i32
    %dma_start3A_182 = arith.constant 0 : i32
    %dma_start3A_183 = tpu.memref_slice %arg8[%dma_start3A_181, %dma_start3A_182] : memref<384x64xf32, #tpu.memory_space<vmem>> -> memref<128x64xf32, #tpu.memory_space<vmem>>
    %dma_start3A_184 = arith.constant 0 : i32
    %dma_start3A_185 = tpu.memref_slice %arg6[%dma_start3A_180, %dma_start3A_184] : memref<20x128xi32, #tpu.memory_space<vmem>> -> memref<1x128xi32, #tpu.memory_space<vmem>>
    %dma_start3A_186 = tpu.memref_squeeze %dma_start3A_185 : memref<1x128xi32, #tpu.memory_space<vmem>> -> memref<128xi32, #tpu.memory_space<vmem>>
    %dma_start3A_187 = arith.constant 0 : i32
    %dma_start3A_188 = arith.constant 0 : i32
    %dma_start3A_189 = tpu.memref_slice %arg11[%dma_start3A_187, %dma_start3A_188] : memref<5184x64xf32, #tpu.memory_space<vmem_shared>> -> memref<5184x64xf32, #tpu.memory_space<vmem_shared>>
    tpu.enqueue_indirect_dma source(%dma_start3A_183 : memref<128x64xf32, #tpu.memory_space<vmem>>) target(%dma_start3A_189 : memref<5184x64xf32, #tpu.memory_space<vmem_shared>>) offsets(%dma_start3A_186 : memref<128xi32, #tpu.memory_space<vmem>>) semaphore(%arg15 : memref<!tpu.dma_semaphore, #tpu.memory_space<semaphore_mem>>) {add = true}
    %dma_start3A_190 = arith.constant 4 : i32
    %dma_start3A_191 = arith.constant 128 : i32
    %dma_start3A_192 = arith.constant 0 : i32
    %dma_start3A_193 = tpu.memref_slice %arg8[%dma_start3A_191, %dma_start3A_192] : memref<384x64xf32, #tpu.memory_space<vmem>> -> memref<128x64xf32, #tpu.memory_space<vmem>>
    %dma_start3A_194 = arith.constant 0 : i32
    %dma_start3A_195 = tpu.memref_slice %arg6[%dma_start3A_190, %dma_start3A_194] : memref<20x128xi32, #tpu.memory_space<vmem>> -> memref<1x128xi32, #tpu.memory_space<vmem>>
    %dma_start3A_196 = tpu.memref_squeeze %dma_start3A_195 : memref<1x128xi32, #tpu.memory_space<vmem>> -> memref<128xi32, #tpu.memory_space<vmem>>
    %dma_start3A_197 = arith.constant 0 : i32
    %dma_start3A_198 = arith.constant 0 : i32
    %dma_start3A_199 = tpu.memref_slice %arg11[%dma_start3A_197, %dma_start3A_198] : memref<5184x64xf32, #tpu.memory_space<vmem_shared>> -> memref<5184x64xf32, #tpu.memory_space<vmem_shared>>
    tpu.enqueue_indirect_dma source(%dma_start3A_193 : memref<128x64xf32, #tpu.memory_space<vmem>>) target(%dma_start3A_199 : memref<5184x64xf32, #tpu.memory_space<vmem_shared>>) offsets(%dma_start3A_196 : memref<128xi32, #tpu.memory_space<vmem>>) semaphore(%arg15 : memref<!tpu.dma_semaphore, #tpu.memory_space<semaphore_mem>>) {add = true}
    %dma_start3A_200 = arith.constant 5 : i32
    %dma_start3A_201 = arith.constant 256 : i32
    %dma_start3A_202 = arith.constant 0 : i32
    %dma_start3A_203 = tpu.memref_slice %arg8[%dma_start3A_201, %dma_start3A_202] : memref<384x64xf32, #tpu.memory_space<vmem>> -> memref<128x64xf32, #tpu.memory_space<vmem>>
    %dma_start3A_204 = arith.constant 0 : i32
    %dma_start3A_205 = tpu.memref_slice %arg6[%dma_start3A_200, %dma_start3A_204] : memref<20x128xi32, #tpu.memory_space<vmem>> -> memref<1x128xi32, #tpu.memory_space<vmem>>
    %dma_start3A_206 = tpu.memref_squeeze %dma_start3A_205 : memref<1x128xi32, #tpu.memory_space<vmem>> -> memref<128xi32, #tpu.memory_space<vmem>>
    %dma_start3A_207 = arith.constant 0 : i32
    %dma_start3A_208 = arith.constant 0 : i32
    %dma_start3A_209 = tpu.memref_slice %arg11[%dma_start3A_207, %dma_start3A_208] : memref<5184x64xf32, #tpu.memory_space<vmem_shared>> -> memref<5184x64xf32, #tpu.memory_space<vmem_shared>>
    tpu.enqueue_indirect_dma source(%dma_start3A_203 : memref<128x64xf32, #tpu.memory_space<vmem>>) target(%dma_start3A_209 : memref<5184x64xf32, #tpu.memory_space<vmem_shared>>) offsets(%dma_start3A_206 : memref<128xi32, #tpu.memory_space<vmem>>) semaphore(%arg15 : memref<!tpu.dma_semaphore, #tpu.memory_space<semaphore_mem>>) {add = true}
    %dma_wait3A_210 = arith.constant 3 : i32
    %dma_wait3A_211 = arith.constant 0 : i32
    %dma_wait3A_212 = arith.constant 0 : i32
    %dma_wait3A_213 = tpu.memref_slice %arg8[%dma_wait3A_211, %dma_wait3A_212] : memref<384x64xf32, #tpu.memory_space<vmem>> -> memref<128x64xf32, #tpu.memory_space<vmem>>
    %dma_wait3A_214 = arith.constant 0 : i32
    %dma_wait3A_215 = tpu.memref_slice %arg6[%dma_wait3A_210, %dma_wait3A_214] : memref<20x128xi32, #tpu.memory_space<vmem>> -> memref<1x128xi32, #tpu.memory_space<vmem>>
    %dma_wait3A_216 = tpu.memref_squeeze %dma_wait3A_215 : memref<1x128xi32, #tpu.memory_space<vmem>> -> memref<128xi32, #tpu.memory_space<vmem>>
    %dma_wait3A_217 = arith.constant 0 : i32
    %dma_wait3A_218 = arith.constant 0 : i32
    %dma_wait3A_219 = tpu.memref_slice %arg11[%dma_wait3A_217, %dma_wait3A_218] : memref<5184x64xf32, #tpu.memory_space<vmem_shared>> -> memref<5184x64xf32, #tpu.memory_space<vmem_shared>>
    tpu.wait_indirect_dma semaphore(%arg15 : memref<!tpu.dma_semaphore, #tpu.memory_space<semaphore_mem>>) src(%dma_wait3A_213 : memref<128x64xf32, #tpu.memory_space<vmem>>) dst(%dma_wait3A_219 : memref<5184x64xf32, #tpu.memory_space<vmem_shared>>)
    %dma_wait3A_220 = arith.constant 4 : i32
    %dma_wait3A_221 = arith.constant 128 : i32
    %dma_wait3A_222 = arith.constant 0 : i32
    %dma_wait3A_223 = tpu.memref_slice %arg8[%dma_wait3A_221, %dma_wait3A_222] : memref<384x64xf32, #tpu.memory_space<vmem>> -> memref<128x64xf32, #tpu.memory_space<vmem>>
    %dma_wait3A_224 = arith.constant 0 : i32
    %dma_wait3A_225 = tpu.memref_slice %arg6[%dma_wait3A_220, %dma_wait3A_224] : memref<20x128xi32, #tpu.memory_space<vmem>> -> memref<1x128xi32, #tpu.memory_space<vmem>>
    %dma_wait3A_226 = tpu.memref_squeeze %dma_wait3A_225 : memref<1x128xi32, #tpu.memory_space<vmem>> -> memref<128xi32, #tpu.memory_space<vmem>>
    %dma_wait3A_227 = arith.constant 0 : i32
    %dma_wait3A_228 = arith.constant 0 : i32
    %dma_wait3A_229 = tpu.memref_slice %arg11[%dma_wait3A_227, %dma_wait3A_228] : memref<5184x64xf32, #tpu.memory_space<vmem_shared>> -> memref<5184x64xf32, #tpu.memory_space<vmem_shared>>
    tpu.wait_indirect_dma semaphore(%arg15 : memref<!tpu.dma_semaphore, #tpu.memory_space<semaphore_mem>>) src(%dma_wait3A_223 : memref<128x64xf32, #tpu.memory_space<vmem>>) dst(%dma_wait3A_229 : memref<5184x64xf32, #tpu.memory_space<vmem_shared>>)
    %dma_wait3A_230 = arith.constant 5 : i32
    %dma_wait3A_231 = arith.constant 256 : i32
    %dma_wait3A_232 = arith.constant 0 : i32
    %dma_wait3A_233 = tpu.memref_slice %arg8[%dma_wait3A_231, %dma_wait3A_232] : memref<384x64xf32, #tpu.memory_space<vmem>> -> memref<128x64xf32, #tpu.memory_space<vmem>>
    %dma_wait3A_234 = arith.constant 0 : i32
    %dma_wait3A_235 = tpu.memref_slice %arg6[%dma_wait3A_230, %dma_wait3A_234] : memref<20x128xi32, #tpu.memory_space<vmem>> -> memref<1x128xi32, #tpu.memory_space<vmem>>
    %dma_wait3A_236 = tpu.memref_squeeze %dma_wait3A_235 : memref<1x128xi32, #tpu.memory_space<vmem>> -> memref<128xi32, #tpu.memory_space<vmem>>
    %dma_wait3A_237 = arith.constant 0 : i32
    %dma_wait3A_238 = arith.constant 0 : i32
    %dma_wait3A_239 = tpu.memref_slice %arg11[%dma_wait3A_237, %dma_wait3A_238] : memref<5184x64xf32, #tpu.memory_space<vmem_shared>> -> memref<5184x64xf32, #tpu.memory_space<vmem_shared>>
    tpu.wait_indirect_dma semaphore(%arg15 : memref<!tpu.dma_semaphore, #tpu.memory_space<semaphore_mem>>) src(%dma_wait3A_233 : memref<128x64xf32, #tpu.memory_space<vmem>>) dst(%dma_wait3A_239 : memref<5184x64xf32, #tpu.memory_space<vmem_shared>>)
    %add3A_240 = arith.constant 1920 : i32
    %add3A_241 = arith.addi %mul3A_18, %add3A_240 : i32
    %dma_start3A_242 = arith.constant 0 : i32
    %dma_start3A_243 = arith.constant 0 : i32
    %dma_start3A_244 = tpu.memref_slice %arg8[%dma_start3A_242, %dma_start3A_243] : memref<384x64xf32, #tpu.memory_space<vmem>> -> memref<384x64xf32, #tpu.memory_space<vmem>>
    %dma_start3A_245 = arith.constant 0 : i32
    %dma_start3A_246 = tpu.memref_slice %arg2[%add3A_241, %dma_start3A_245] : memref<40000x128xf32, #tpu.memory_space<hbm>> -> memref<384x64xf32, #tpu.memory_space<hbm>>
    %dma_start3A_247 = arith.constant 0 : i32
    %dma_start3A_248 = arith.constant 0 : i32
    %dma_start3A_249 = tpu.memref_slice %arg8[%dma_start3A_247, %dma_start3A_248] : memref<384x64xf32, #tpu.memory_space<vmem>> -> memref<384x64xf32, #tpu.memory_space<vmem>>
    %dma_start3A_250 = arith.constant 0 : i32
    %dma_start3A_251 = tpu.memref_slice %arg2[%add3A_241, %dma_start3A_250] : memref<40000x128xf32, #tpu.memory_space<hbm>> -> memref<384x64xf32, #tpu.memory_space<hbm>>
    tpu.enqueue_dma source(%dma_start3A_251 : memref<384x64xf32, #tpu.memory_space<hbm>>) target(%dma_start3A_249 : memref<384x64xf32, #tpu.memory_space<vmem>>) target_semaphore(%arg13 : memref<!tpu.dma_semaphore, #tpu.memory_space<semaphore_mem>>)
    %dma_wait3A_252 = arith.constant 0 : i32
    %dma_wait3A_253 = arith.constant 0 : i32
    %dma_wait3A_254 = tpu.memref_slice %arg9[%dma_wait3A_252, %dma_wait3A_253] : memref<384x64xf32, #tpu.memory_space<vmem>> -> memref<384x64xf32, #tpu.memory_space<vmem>>
    %dma_wait3A_255 = arith.constant 0 : i32
    %dma_wait3A_256 = tpu.memref_slice %arg2[%add3A_46, %dma_wait3A_255] : memref<40000x128xf32, #tpu.memory_space<hbm>> -> memref<384x64xf32, #tpu.memory_space<hbm>>
    %dma_wait3A_257 = arith.constant 0 : i32
    %dma_wait3A_258 = arith.constant 0 : i32
    %dma_wait3A_259 = tpu.memref_slice %arg9[%dma_wait3A_257, %dma_wait3A_258] : memref<384x64xf32, #tpu.memory_space<vmem>> -> memref<384x64xf32, #tpu.memory_space<vmem>>
    %dma_wait3A_260 = arith.constant 0 : i32
    %dma_wait3A_261 = tpu.memref_slice %arg2[%add3A_46, %dma_wait3A_260] : memref<40000x128xf32, #tpu.memory_space<hbm>> -> memref<384x64xf32, #tpu.memory_space<hbm>>
    tpu.wait_dma2 semaphore(%arg13 : memref<!tpu.dma_semaphore, #tpu.memory_space<semaphore_mem>>) src(%dma_wait3A_261 : memref<384x64xf32, #tpu.memory_space<hbm>>) dst(%dma_wait3A_259 : memref<384x64xf32, #tpu.memory_space<vmem>>)
    %dma_start3A_262 = arith.constant 6 : i32
    %dma_start3A_263 = arith.constant 0 : i32
    %dma_start3A_264 = arith.constant 0 : i32
    %dma_start3A_265 = tpu.memref_slice %arg9[%dma_start3A_263, %dma_start3A_264] : memref<384x64xf32, #tpu.memory_space<vmem>> -> memref<128x64xf32, #tpu.memory_space<vmem>>
    %dma_start3A_266 = arith.constant 0 : i32
    %dma_start3A_267 = tpu.memref_slice %arg6[%dma_start3A_262, %dma_start3A_266] : memref<20x128xi32, #tpu.memory_space<vmem>> -> memref<1x128xi32, #tpu.memory_space<vmem>>
    %dma_start3A_268 = tpu.memref_squeeze %dma_start3A_267 : memref<1x128xi32, #tpu.memory_space<vmem>> -> memref<128xi32, #tpu.memory_space<vmem>>
    %dma_start3A_269 = arith.constant 0 : i32
    %dma_start3A_270 = arith.constant 0 : i32
    %dma_start3A_271 = tpu.memref_slice %arg11[%dma_start3A_269, %dma_start3A_270] : memref<5184x64xf32, #tpu.memory_space<vmem_shared>> -> memref<5184x64xf32, #tpu.memory_space<vmem_shared>>
    tpu.enqueue_indirect_dma source(%dma_start3A_265 : memref<128x64xf32, #tpu.memory_space<vmem>>) target(%dma_start3A_271 : memref<5184x64xf32, #tpu.memory_space<vmem_shared>>) offsets(%dma_start3A_268 : memref<128xi32, #tpu.memory_space<vmem>>) semaphore(%arg15 : memref<!tpu.dma_semaphore, #tpu.memory_space<semaphore_mem>>) {add = true}
    %dma_start3A_272 = arith.constant 7 : i32
    %dma_start3A_273 = arith.constant 128 : i32
    %dma_start3A_274 = arith.constant 0 : i32
    %dma_start3A_275 = tpu.memref_slice %arg9[%dma_start3A_273, %dma_start3A_274] : memref<384x64xf32, #tpu.memory_space<vmem>> -> memref<128x64xf32, #tpu.memory_space<vmem>>
    %dma_start3A_276 = arith.constant 0 : i32
    %dma_start3A_277 = tpu.memref_slice %arg6[%dma_start3A_272, %dma_start3A_276] : memref<20x128xi32, #tpu.memory_space<vmem>> -> memref<1x128xi32, #tpu.memory_space<vmem>>
    %dma_start3A_278 = tpu.memref_squeeze %dma_start3A_277 : memref<1x128xi32, #tpu.memory_space<vmem>> -> memref<128xi32, #tpu.memory_space<vmem>>
    %dma_start3A_279 = arith.constant 0 : i32
    %dma_start3A_280 = arith.constant 0 : i32
    %dma_start3A_281 = tpu.memref_slice %arg11[%dma_start3A_279, %dma_start3A_280] : memref<5184x64xf32, #tpu.memory_space<vmem_shared>> -> memref<5184x64xf32, #tpu.memory_space<vmem_shared>>
    tpu.enqueue_indirect_dma source(%dma_start3A_275 : memref<128x64xf32, #tpu.memory_space<vmem>>) target(%dma_start3A_281 : memref<5184x64xf32, #tpu.memory_space<vmem_shared>>) offsets(%dma_start3A_278 : memref<128xi32, #tpu.memory_space<vmem>>) semaphore(%arg15 : memref<!tpu.dma_semaphore, #tpu.memory_space<semaphore_mem>>) {add = true}
    %dma_start3A_282 = arith.constant 8 : i32
    %dma_start3A_283 = arith.constant 256 : i32
    %dma_start3A_284 = arith.constant 0 : i32
    %dma_start3A_285 = tpu.memref_slice %arg9[%dma_start3A_283, %dma_start3A_284] : memref<384x64xf32, #tpu.memory_space<vmem>> -> memref<128x64xf32, #tpu.memory_space<vmem>>
    %dma_start3A_286 = arith.constant 0 : i32
    %dma_start3A_287 = tpu.memref_slice %arg6[%dma_start3A_282, %dma_start3A_286] : memref<20x128xi32, #tpu.memory_space<vmem>> -> memref<1x128xi32, #tpu.memory_space<vmem>>
    %dma_start3A_288 = tpu.memref_squeeze %dma_start3A_287 : memref<1x128xi32, #tpu.memory_space<vmem>> -> memref<128xi32, #tpu.memory_space<vmem>>
    %dma_start3A_289 = arith.constant 0 : i32
    %dma_start3A_290 = arith.constant 0 : i32
    %dma_start3A_291 = tpu.memref_slice %arg11[%dma_start3A_289, %dma_start3A_290] : memref<5184x64xf32, #tpu.memory_space<vmem_shared>> -> memref<5184x64xf32, #tpu.memory_space<vmem_shared>>
    tpu.enqueue_indirect_dma source(%dma_start3A_285 : memref<128x64xf32, #tpu.memory_space<vmem>>) target(%dma_start3A_291 : memref<5184x64xf32, #tpu.memory_space<vmem_shared>>) offsets(%dma_start3A_288 : memref<128xi32, #tpu.memory_space<vmem>>) semaphore(%arg15 : memref<!tpu.dma_semaphore, #tpu.memory_space<semaphore_mem>>) {add = true}
    %dma_wait3A_292 = arith.constant 6 : i32
    %dma_wait3A_293 = arith.constant 0 : i32
    %dma_wait3A_294 = arith.constant 0 : i32
    %dma_wait3A_295 = tpu.memref_slice %arg9[%dma_wait3A_293, %dma_wait3A_294] : memref<384x64xf32, #tpu.memory_space<vmem>> -> memref<128x64xf32, #tpu.memory_space<vmem>>
    %dma_wait3A_296 = arith.constant 0 : i32
    %dma_wait3A_297 = tpu.memref_slice %arg6[%dma_wait3A_292, %dma_wait3A_296] : memref<20x128xi32, #tpu.memory_space<vmem>> -> memref<1x128xi32, #tpu.memory_space<vmem>>
    %dma_wait3A_298 = tpu.memref_squeeze %dma_wait3A_297 : memref<1x128xi32, #tpu.memory_space<vmem>> -> memref<128xi32, #tpu.memory_space<vmem>>
    %dma_wait3A_299 = arith.constant 0 : i32
    %dma_wait3A_300 = arith.constant 0 : i32
    %dma_wait3A_301 = tpu.memref_slice %arg11[%dma_wait3A_299, %dma_wait3A_300] : memref<5184x64xf32, #tpu.memory_space<vmem_shared>> -> memref<5184x64xf32, #tpu.memory_space<vmem_shared>>
    tpu.wait_indirect_dma semaphore(%arg15 : memref<!tpu.dma_semaphore, #tpu.memory_space<semaphore_mem>>) src(%dma_wait3A_295 : memref<128x64xf32, #tpu.memory_space<vmem>>) dst(%dma_wait3A_301 : memref<5184x64xf32, #tpu.memory_space<vmem_shared>>)
    %dma_wait3A_302 = arith.constant 7 : i32
    %dma_wait3A_303 = arith.constant 128 : i32
    %dma_wait3A_304 = arith.constant 0 : i32
    %dma_wait3A_305 = tpu.memref_slice %arg9[%dma_wait3A_303, %dma_wait3A_304] : memref<384x64xf32, #tpu.memory_space<vmem>> -> memref<128x64xf32, #tpu.memory_space<vmem>>
    %dma_wait3A_306 = arith.constant 0 : i32
    %dma_wait3A_307 = tpu.memref_slice %arg6[%dma_wait3A_302, %dma_wait3A_306] : memref<20x128xi32, #tpu.memory_space<vmem>> -> memref<1x128xi32, #tpu.memory_space<vmem>>
    %dma_wait3A_308 = tpu.memref_squeeze %dma_wait3A_307 : memref<1x128xi32, #tpu.memory_space<vmem>> -> memref<128xi32, #tpu.memory_space<vmem>>
    %dma_wait3A_309 = arith.constant 0 : i32
    %dma_wait3A_310 = arith.constant 0 : i32
    %dma_wait3A_311 = tpu.memref_slice %arg11[%dma_wait3A_309, %dma_wait3A_310] : memref<5184x64xf32, #tpu.memory_space<vmem_shared>> -> memref<5184x64xf32, #tpu.memory_space<vmem_shared>>
    tpu.wait_indirect_dma semaphore(%arg15 : memref<!tpu.dma_semaphore, #tpu.memory_space<semaphore_mem>>) src(%dma_wait3A_305 : memref<128x64xf32, #tpu.memory_space<vmem>>) dst(%dma_wait3A_311 : memref<5184x64xf32, #tpu.memory_space<vmem_shared>>)
    %dma_wait3A_312 = arith.constant 8 : i32
    %dma_wait3A_313 = arith.constant 256 : i32
    %dma_wait3A_314 = arith.constant 0 : i32
    %dma_wait3A_315 = tpu.memref_slice %arg9[%dma_wait3A_313, %dma_wait3A_314] : memref<384x64xf32, #tpu.memory_space<vmem>> -> memref<128x64xf32, #tpu.memory_space<vmem>>
    %dma_wait3A_316 = arith.constant 0 : i32
    %dma_wait3A_317 = tpu.memref_slice %arg6[%dma_wait3A_312, %dma_wait3A_316] : memref<20x128xi32, #tpu.memory_space<vmem>> -> memref<1x128xi32, #tpu.memory_space<vmem>>
    %dma_wait3A_318 = tpu.memref_squeeze %dma_wait3A_317 : memref<1x128xi32, #tpu.memory_space<vmem>> -> memref<128xi32, #tpu.memory_space<vmem>>
    %dma_wait3A_319 = arith.constant 0 : i32
    %dma_wait3A_320 = arith.constant 0 : i32
    %dma_wait3A_321 = tpu.memref_slice %arg11[%dma_wait3A_319, %dma_wait3A_320] : memref<5184x64xf32, #tpu.memory_space<vmem_shared>> -> memref<5184x64xf32, #tpu.memory_space<vmem_shared>>
    tpu.wait_indirect_dma semaphore(%arg15 : memref<!tpu.dma_semaphore, #tpu.memory_space<semaphore_mem>>) src(%dma_wait3A_315 : memref<128x64xf32, #tpu.memory_space<vmem>>) dst(%dma_wait3A_321 : memref<5184x64xf32, #tpu.memory_space<vmem_shared>>)
    %add3A_322 = arith.constant 2304 : i32
    %add3A_323 = arith.addi %mul3A_18, %add3A_322 : i32
    %dma_start3A_324 = arith.constant 0 : i32
    %dma_start3A_325 = arith.constant 0 : i32
    %dma_start3A_326 = tpu.memref_slice %arg9[%dma_start3A_324, %dma_start3A_325] : memref<384x64xf32, #tpu.memory_space<vmem>> -> memref<208x64xf32, #tpu.memory_space<vmem>>
    %dma_start3A_327 = arith.constant 0 : i32
    %dma_start3A_328 = tpu.memref_slice %arg2[%add3A_323, %dma_start3A_327] : memref<40000x128xf32, #tpu.memory_space<hbm>> -> memref<208x64xf32, #tpu.memory_space<hbm>>
    %dma_start3A_329 = arith.constant 0 : i32
    %dma_start3A_330 = arith.constant 0 : i32
    %dma_start3A_331 = tpu.memref_slice %arg9[%dma_start3A_329, %dma_start3A_330] : memref<384x64xf32, #tpu.memory_space<vmem>> -> memref<208x64xf32, #tpu.memory_space<vmem>>
    %dma_start3A_332 = arith.constant 0 : i32
    %dma_start3A_333 = tpu.memref_slice %arg2[%add3A_323, %dma_start3A_332] : memref<40000x128xf32, #tpu.memory_space<hbm>> -> memref<208x64xf32, #tpu.memory_space<hbm>>
    tpu.enqueue_dma source(%dma_start3A_333 : memref<208x64xf32, #tpu.memory_space<hbm>>) target(%dma_start3A_331 : memref<208x64xf32, #tpu.memory_space<vmem>>) target_semaphore(%arg13 : memref<!tpu.dma_semaphore, #tpu.memory_space<semaphore_mem>>)
    %dma_wait3A_334 = arith.constant 0 : i32
    %dma_wait3A_335 = arith.constant 0 : i32
    %dma_wait3A_336 = tpu.memref_slice %arg10[%dma_wait3A_334, %dma_wait3A_335] : memref<384x64xf32, #tpu.memory_space<vmem>> -> memref<384x64xf32, #tpu.memory_space<vmem>>
    %dma_wait3A_337 = arith.constant 0 : i32
    %dma_wait3A_338 = tpu.memref_slice %arg2[%add3A_58, %dma_wait3A_337] : memref<40000x128xf32, #tpu.memory_space<hbm>> -> memref<384x64xf32, #tpu.memory_space<hbm>>
    %dma_wait3A_339 = arith.constant 0 : i32
    %dma_wait3A_340 = arith.constant 0 : i32
    %dma_wait3A_341 = tpu.memref_slice %arg10[%dma_wait3A_339, %dma_wait3A_340] : memref<384x64xf32, #tpu.memory_space<vmem>> -> memref<384x64xf32, #tpu.memory_space<vmem>>
    %dma_wait3A_342 = arith.constant 0 : i32
    %dma_wait3A_343 = tpu.memref_slice %arg2[%add3A_58, %dma_wait3A_342] : memref<40000x128xf32, #tpu.memory_space<hbm>> -> memref<384x64xf32, #tpu.memory_space<hbm>>
    tpu.wait_dma2 semaphore(%arg13 : memref<!tpu.dma_semaphore, #tpu.memory_space<semaphore_mem>>) src(%dma_wait3A_343 : memref<384x64xf32, #tpu.memory_space<hbm>>) dst(%dma_wait3A_341 : memref<384x64xf32, #tpu.memory_space<vmem>>)
    %dma_start3A_344 = arith.constant 9 : i32
    %dma_start3A_345 = arith.constant 0 : i32
    %dma_start3A_346 = arith.constant 0 : i32
    %dma_start3A_347 = tpu.memref_slice %arg10[%dma_start3A_345, %dma_start3A_346] : memref<384x64xf32, #tpu.memory_space<vmem>> -> memref<128x64xf32, #tpu.memory_space<vmem>>
    %dma_start3A_348 = arith.constant 0 : i32
    %dma_start3A_349 = tpu.memref_slice %arg6[%dma_start3A_344, %dma_start3A_348] : memref<20x128xi32, #tpu.memory_space<vmem>> -> memref<1x128xi32, #tpu.memory_space<vmem>>
    %dma_start3A_350 = tpu.memref_squeeze %dma_start3A_349 : memref<1x128xi32, #tpu.memory_space<vmem>> -> memref<128xi32, #tpu.memory_space<vmem>>
    %dma_start3A_351 = arith.constant 0 : i32
    %dma_start3A_352 = arith.constant 0 : i32
    %dma_start3A_353 = tpu.memref_slice %arg11[%dma_start3A_351, %dma_start3A_352] : memref<5184x64xf32, #tpu.memory_space<vmem_shared>> -> memref<5184x64xf32, #tpu.memory_space<vmem_shared>>
    tpu.enqueue_indirect_dma source(%dma_start3A_347 : memref<128x64xf32, #tpu.memory_space<vmem>>) target(%dma_start3A_353 : memref<5184x64xf32, #tpu.memory_space<vmem_shared>>) offsets(%dma_start3A_350 : memref<128xi32, #tpu.memory_space<vmem>>) semaphore(%arg15 : memref<!tpu.dma_semaphore, #tpu.memory_space<semaphore_mem>>) {add = true}
    %dma_start3A_354 = arith.constant 10 : i32
    %dma_start3A_355 = arith.constant 128 : i32
    %dma_start3A_356 = arith.constant 0 : i32
    %dma_start3A_357 = tpu.memref_slice %arg10[%dma_start3A_355, %dma_start3A_356] : memref<384x64xf32, #tpu.memory_space<vmem>> -> memref<128x64xf32, #tpu.memory_space<vmem>>
    %dma_start3A_358 = arith.constant 0 : i32
    %dma_start3A_359 = tpu.memref_slice %arg6[%dma_start3A_354, %dma_start3A_358] : memref<20x128xi32, #tpu.memory_space<vmem>> -> memref<1x128xi32, #tpu.memory_space<vmem>>
    %dma_start3A_360 = tpu.memref_squeeze %dma_start3A_359 : memref<1x128xi32, #tpu.memory_space<vmem>> -> memref<128xi32, #tpu.memory_space<vmem>>
    %dma_start3A_361 = arith.constant 0 : i32
    %dma_start3A_362 = arith.constant 0 : i32
    %dma_start3A_363 = tpu.memref_slice %arg11[%dma_start3A_361, %dma_start3A_362] : memref<5184x64xf32, #tpu.memory_space<vmem_shared>> -> memref<5184x64xf32, #tpu.memory_space<vmem_shared>>
    tpu.enqueue_indirect_dma source(%dma_start3A_357 : memref<128x64xf32, #tpu.memory_space<vmem>>) target(%dma_start3A_363 : memref<5184x64xf32, #tpu.memory_space<vmem_shared>>) offsets(%dma_start3A_360 : memref<128xi32, #tpu.memory_space<vmem>>) semaphore(%arg15 : memref<!tpu.dma_semaphore, #tpu.memory_space<semaphore_mem>>) {add = true}
    %dma_start3A_364 = arith.constant 11 : i32
    %dma_start3A_365 = arith.constant 256 : i32
    %dma_start3A_366 = arith.constant 0 : i32
    %dma_start3A_367 = tpu.memref_slice %arg10[%dma_start3A_365, %dma_start3A_366] : memref<384x64xf32, #tpu.memory_space<vmem>> -> memref<128x64xf32, #tpu.memory_space<vmem>>
    %dma_start3A_368 = arith.constant 0 : i32
    %dma_start3A_369 = tpu.memref_slice %arg6[%dma_start3A_364, %dma_start3A_368] : memref<20x128xi32, #tpu.memory_space<vmem>> -> memref<1x128xi32, #tpu.memory_space<vmem>>
    %dma_start3A_370 = tpu.memref_squeeze %dma_start3A_369 : memref<1x128xi32, #tpu.memory_space<vmem>> -> memref<128xi32, #tpu.memory_space<vmem>>
    %dma_start3A_371 = arith.constant 0 : i32
    %dma_start3A_372 = arith.constant 0 : i32
    %dma_start3A_373 = tpu.memref_slice %arg11[%dma_start3A_371, %dma_start3A_372] : memref<5184x64xf32, #tpu.memory_space<vmem_shared>> -> memref<5184x64xf32, #tpu.memory_space<vmem_shared>>
    tpu.enqueue_indirect_dma source(%dma_start3A_367 : memref<128x64xf32, #tpu.memory_space<vmem>>) target(%dma_start3A_373 : memref<5184x64xf32, #tpu.memory_space<vmem_shared>>) offsets(%dma_start3A_370 : memref<128xi32, #tpu.memory_space<vmem>>) semaphore(%arg15 : memref<!tpu.dma_semaphore, #tpu.memory_space<semaphore_mem>>) {add = true}
    %dma_wait3A_374 = arith.constant 0 : i32
    %dma_wait3A_375 = arith.constant 0 : i32
    %dma_wait3A_376 = tpu.memref_slice %arg7[%dma_wait3A_374, %dma_wait3A_375] : memref<384x64xf32, #tpu.memory_space<vmem>> -> memref<384x64xf32, #tpu.memory_space<vmem>>
    %dma_wait3A_377 = arith.constant 0 : i32
    %dma_wait3A_378 = tpu.memref_slice %arg2[%add3A_159, %dma_wait3A_377] : memref<40000x128xf32, #tpu.memory_space<hbm>> -> memref<384x64xf32, #tpu.memory_space<hbm>>
    %dma_wait3A_379 = arith.constant 0 : i32
    %dma_wait3A_380 = arith.constant 0 : i32
    %dma_wait3A_381 = tpu.memref_slice %arg7[%dma_wait3A_379, %dma_wait3A_380] : memref<384x64xf32, #tpu.memory_space<vmem>> -> memref<384x64xf32, #tpu.memory_space<vmem>>
    %dma_wait3A_382 = arith.constant 0 : i32
    %dma_wait3A_383 = tpu.memref_slice %arg2[%add3A_159, %dma_wait3A_382] : memref<40000x128xf32, #tpu.memory_space<hbm>> -> memref<384x64xf32, #tpu.memory_space<hbm>>
    tpu.wait_dma2 semaphore(%arg13 : memref<!tpu.dma_semaphore, #tpu.memory_space<semaphore_mem>>) src(%dma_wait3A_383 : memref<384x64xf32, #tpu.memory_space<hbm>>) dst(%dma_wait3A_381 : memref<384x64xf32, #tpu.memory_space<vmem>>)
    %dma_start3A_384 = arith.constant 12 : i32
    %dma_start3A_385 = arith.constant 0 : i32
    %dma_start3A_386 = arith.constant 0 : i32
    %dma_start3A_387 = tpu.memref_slice %arg7[%dma_start3A_385, %dma_start3A_386] : memref<384x64xf32, #tpu.memory_space<vmem>> -> memref<128x64xf32, #tpu.memory_space<vmem>>
    %dma_start3A_388 = arith.constant 0 : i32
    %dma_start3A_389 = tpu.memref_slice %arg6[%dma_start3A_384, %dma_start3A_388] : memref<20x128xi32, #tpu.memory_space<vmem>> -> memref<1x128xi32, #tpu.memory_space<vmem>>
    %dma_start3A_390 = tpu.memref_squeeze %dma_start3A_389 : memref<1x128xi32, #tpu.memory_space<vmem>> -> memref<128xi32, #tpu.memory_space<vmem>>
    %dma_start3A_391 = arith.constant 0 : i32
    %dma_start3A_392 = arith.constant 0 : i32
    %dma_start3A_393 = tpu.memref_slice %arg11[%dma_start3A_391, %dma_start3A_392] : memref<5184x64xf32, #tpu.memory_space<vmem_shared>> -> memref<5184x64xf32, #tpu.memory_space<vmem_shared>>
    tpu.enqueue_indirect_dma source(%dma_start3A_387 : memref<128x64xf32, #tpu.memory_space<vmem>>) target(%dma_start3A_393 : memref<5184x64xf32, #tpu.memory_space<vmem_shared>>) offsets(%dma_start3A_390 : memref<128xi32, #tpu.memory_space<vmem>>) semaphore(%arg15 : memref<!tpu.dma_semaphore, #tpu.memory_space<semaphore_mem>>) {add = true}
    %dma_start3A_394 = arith.constant 13 : i32
    %dma_start3A_395 = arith.constant 128 : i32
    %dma_start3A_396 = arith.constant 0 : i32
    %dma_start3A_397 = tpu.memref_slice %arg7[%dma_start3A_395, %dma_start3A_396] : memref<384x64xf32, #tpu.memory_space<vmem>> -> memref<128x64xf32, #tpu.memory_space<vmem>>
    %dma_start3A_398 = arith.constant 0 : i32
    %dma_start3A_399 = tpu.memref_slice %arg6[%dma_start3A_394, %dma_start3A_398] : memref<20x128xi32, #tpu.memory_space<vmem>> -> memref<1x128xi32, #tpu.memory_space<vmem>>
    %dma_start3A_400 = tpu.memref_squeeze %dma_start3A_399 : memref<1x128xi32, #tpu.memory_space<vmem>> -> memref<128xi32, #tpu.memory_space<vmem>>
    %dma_start3A_401 = arith.constant 0 : i32
    %dma_start3A_402 = arith.constant 0 : i32
    %dma_start3A_403 = tpu.memref_slice %arg11[%dma_start3A_401, %dma_start3A_402] : memref<5184x64xf32, #tpu.memory_space<vmem_shared>> -> memref<5184x64xf32, #tpu.memory_space<vmem_shared>>
    tpu.enqueue_indirect_dma source(%dma_start3A_397 : memref<128x64xf32, #tpu.memory_space<vmem>>) target(%dma_start3A_403 : memref<5184x64xf32, #tpu.memory_space<vmem_shared>>) offsets(%dma_start3A_400 : memref<128xi32, #tpu.memory_space<vmem>>) semaphore(%arg15 : memref<!tpu.dma_semaphore, #tpu.memory_space<semaphore_mem>>) {add = true}
    %dma_start3A_404 = arith.constant 14 : i32
    %dma_start3A_405 = arith.constant 256 : i32
    %dma_start3A_406 = arith.constant 0 : i32
    %dma_start3A_407 = tpu.memref_slice %arg7[%dma_start3A_405, %dma_start3A_406] : memref<384x64xf32, #tpu.memory_space<vmem>> -> memref<128x64xf32, #tpu.memory_space<vmem>>
    %dma_start3A_408 = arith.constant 0 : i32
    %dma_start3A_409 = tpu.memref_slice %arg6[%dma_start3A_404, %dma_start3A_408] : memref<20x128xi32, #tpu.memory_space<vmem>> -> memref<1x128xi32, #tpu.memory_space<vmem>>
    %dma_start3A_410 = tpu.memref_squeeze %dma_start3A_409 : memref<1x128xi32, #tpu.memory_space<vmem>> -> memref<128xi32, #tpu.memory_space<vmem>>
    %dma_start3A_411 = arith.constant 0 : i32
    %dma_start3A_412 = arith.constant 0 : i32
    %dma_start3A_413 = tpu.memref_slice %arg11[%dma_start3A_411, %dma_start3A_412] : memref<5184x64xf32, #tpu.memory_space<vmem_shared>> -> memref<5184x64xf32, #tpu.memory_space<vmem_shared>>
    tpu.enqueue_indirect_dma source(%dma_start3A_407 : memref<128x64xf32, #tpu.memory_space<vmem>>) target(%dma_start3A_413 : memref<5184x64xf32, #tpu.memory_space<vmem_shared>>) offsets(%dma_start3A_410 : memref<128xi32, #tpu.memory_space<vmem>>) semaphore(%arg15 : memref<!tpu.dma_semaphore, #tpu.memory_space<semaphore_mem>>) {add = true}
    %dma_wait3A_414 = arith.constant 0 : i32
    %dma_wait3A_415 = arith.constant 0 : i32
    %dma_wait3A_416 = tpu.memref_slice %arg8[%dma_wait3A_414, %dma_wait3A_415] : memref<384x64xf32, #tpu.memory_space<vmem>> -> memref<384x64xf32, #tpu.memory_space<vmem>>
    %dma_wait3A_417 = arith.constant 0 : i32
    %dma_wait3A_418 = tpu.memref_slice %arg2[%add3A_241, %dma_wait3A_417] : memref<40000x128xf32, #tpu.memory_space<hbm>> -> memref<384x64xf32, #tpu.memory_space<hbm>>
    %dma_wait3A_419 = arith.constant 0 : i32
    %dma_wait3A_420 = arith.constant 0 : i32
    %dma_wait3A_421 = tpu.memref_slice %arg8[%dma_wait3A_419, %dma_wait3A_420] : memref<384x64xf32, #tpu.memory_space<vmem>> -> memref<384x64xf32, #tpu.memory_space<vmem>>
    %dma_wait3A_422 = arith.constant 0 : i32
    %dma_wait3A_423 = tpu.memref_slice %arg2[%add3A_241, %dma_wait3A_422] : memref<40000x128xf32, #tpu.memory_space<hbm>> -> memref<384x64xf32, #tpu.memory_space<hbm>>
    tpu.wait_dma2 semaphore(%arg13 : memref<!tpu.dma_semaphore, #tpu.memory_space<semaphore_mem>>) src(%dma_wait3A_423 : memref<384x64xf32, #tpu.memory_space<hbm>>) dst(%dma_wait3A_421 : memref<384x64xf32, #tpu.memory_space<vmem>>)
    %dma_start3A_424 = arith.constant 15 : i32
    %dma_start3A_425 = arith.constant 0 : i32
    %dma_start3A_426 = arith.constant 0 : i32
    %dma_start3A_427 = tpu.memref_slice %arg8[%dma_start3A_425, %dma_start3A_426] : memref<384x64xf32, #tpu.memory_space<vmem>> -> memref<128x64xf32, #tpu.memory_space<vmem>>
    %dma_start3A_428 = arith.constant 0 : i32
    %dma_start3A_429 = tpu.memref_slice %arg6[%dma_start3A_424, %dma_start3A_428] : memref<20x128xi32, #tpu.memory_space<vmem>> -> memref<1x128xi32, #tpu.memory_space<vmem>>
    %dma_start3A_430 = tpu.memref_squeeze %dma_start3A_429 : memref<1x128xi32, #tpu.memory_space<vmem>> -> memref<128xi32, #tpu.memory_space<vmem>>
    %dma_start3A_431 = arith.constant 0 : i32
    %dma_start3A_432 = arith.constant 0 : i32
    %dma_start3A_433 = tpu.memref_slice %arg11[%dma_start3A_431, %dma_start3A_432] : memref<5184x64xf32, #tpu.memory_space<vmem_shared>> -> memref<5184x64xf32, #tpu.memory_space<vmem_shared>>
    tpu.enqueue_indirect_dma source(%dma_start3A_427 : memref<128x64xf32, #tpu.memory_space<vmem>>) target(%dma_start3A_433 : memref<5184x64xf32, #tpu.memory_space<vmem_shared>>) offsets(%dma_start3A_430 : memref<128xi32, #tpu.memory_space<vmem>>) semaphore(%arg15 : memref<!tpu.dma_semaphore, #tpu.memory_space<semaphore_mem>>) {add = true}
    %dma_start3A_434 = arith.constant 16 : i32
    %dma_start3A_435 = arith.constant 128 : i32
    %dma_start3A_436 = arith.constant 0 : i32
    %dma_start3A_437 = tpu.memref_slice %arg8[%dma_start3A_435, %dma_start3A_436] : memref<384x64xf32, #tpu.memory_space<vmem>> -> memref<128x64xf32, #tpu.memory_space<vmem>>
    %dma_start3A_438 = arith.constant 0 : i32
    %dma_start3A_439 = tpu.memref_slice %arg6[%dma_start3A_434, %dma_start3A_438] : memref<20x128xi32, #tpu.memory_space<vmem>> -> memref<1x128xi32, #tpu.memory_space<vmem>>
    %dma_start3A_440 = tpu.memref_squeeze %dma_start3A_439 : memref<1x128xi32, #tpu.memory_space<vmem>> -> memref<128xi32, #tpu.memory_space<vmem>>
    %dma_start3A_441 = arith.constant 0 : i32
    %dma_start3A_442 = arith.constant 0 : i32
    %dma_start3A_443 = tpu.memref_slice %arg11[%dma_start3A_441, %dma_start3A_442] : memref<5184x64xf32, #tpu.memory_space<vmem_shared>> -> memref<5184x64xf32, #tpu.memory_space<vmem_shared>>
    tpu.enqueue_indirect_dma source(%dma_start3A_437 : memref<128x64xf32, #tpu.memory_space<vmem>>) target(%dma_start3A_443 : memref<5184x64xf32, #tpu.memory_space<vmem_shared>>) offsets(%dma_start3A_440 : memref<128xi32, #tpu.memory_space<vmem>>) semaphore(%arg15 : memref<!tpu.dma_semaphore, #tpu.memory_space<semaphore_mem>>) {add = true}
    %dma_start3A_444 = arith.constant 17 : i32
    %dma_start3A_445 = arith.constant 256 : i32
    %dma_start3A_446 = arith.constant 0 : i32
    %dma_start3A_447 = tpu.memref_slice %arg8[%dma_start3A_445, %dma_start3A_446] : memref<384x64xf32, #tpu.memory_space<vmem>> -> memref<128x64xf32, #tpu.memory_space<vmem>>
    %dma_start3A_448 = arith.constant 0 : i32
    %dma_start3A_449 = tpu.memref_slice %arg6[%dma_start3A_444, %dma_start3A_448] : memref<20x128xi32, #tpu.memory_space<vmem>> -> memref<1x128xi32, #tpu.memory_space<vmem>>
    %dma_start3A_450 = tpu.memref_squeeze %dma_start3A_449 : memref<1x128xi32, #tpu.memory_space<vmem>> -> memref<128xi32, #tpu.memory_space<vmem>>
    %dma_start3A_451 = arith.constant 0 : i32
    %dma_start3A_452 = arith.constant 0 : i32
    %dma_start3A_453 = tpu.memref_slice %arg11[%dma_start3A_451, %dma_start3A_452] : memref<5184x64xf32, #tpu.memory_space<vmem_shared>> -> memref<5184x64xf32, #tpu.memory_space<vmem_shared>>
    tpu.enqueue_indirect_dma source(%dma_start3A_447 : memref<128x64xf32, #tpu.memory_space<vmem>>) target(%dma_start3A_453 : memref<5184x64xf32, #tpu.memory_space<vmem_shared>>) offsets(%dma_start3A_450 : memref<128xi32, #tpu.memory_space<vmem>>) semaphore(%arg15 : memref<!tpu.dma_semaphore, #tpu.memory_space<semaphore_mem>>) {add = true}
    %dma_wait3A_454 = arith.constant 0 : i32
    %dma_wait3A_455 = arith.constant 0 : i32
    %dma_wait3A_456 = tpu.memref_slice %arg9[%dma_wait3A_454, %dma_wait3A_455] : memref<384x64xf32, #tpu.memory_space<vmem>> -> memref<208x64xf32, #tpu.memory_space<vmem>>
    %dma_wait3A_457 = arith.constant 0 : i32
    %dma_wait3A_458 = tpu.memref_slice %arg2[%add3A_323, %dma_wait3A_457] : memref<40000x128xf32, #tpu.memory_space<hbm>> -> memref<208x64xf32, #tpu.memory_space<hbm>>
    %dma_wait3A_459 = arith.constant 0 : i32
    %dma_wait3A_460 = arith.constant 0 : i32
    %dma_wait3A_461 = tpu.memref_slice %arg9[%dma_wait3A_459, %dma_wait3A_460] : memref<384x64xf32, #tpu.memory_space<vmem>> -> memref<208x64xf32, #tpu.memory_space<vmem>>
    %dma_wait3A_462 = arith.constant 0 : i32
    %dma_wait3A_463 = tpu.memref_slice %arg2[%add3A_323, %dma_wait3A_462] : memref<40000x128xf32, #tpu.memory_space<hbm>> -> memref<208x64xf32, #tpu.memory_space<hbm>>
    tpu.wait_dma2 semaphore(%arg13 : memref<!tpu.dma_semaphore, #tpu.memory_space<semaphore_mem>>) src(%dma_wait3A_463 : memref<208x64xf32, #tpu.memory_space<hbm>>) dst(%dma_wait3A_461 : memref<208x64xf32, #tpu.memory_space<vmem>>)
    %dma_start3A_464 = arith.constant 18 : i32
    %dma_start3A_465 = arith.constant 0 : i32
    %dma_start3A_466 = arith.constant 0 : i32
    %dma_start3A_467 = tpu.memref_slice %arg9[%dma_start3A_465, %dma_start3A_466] : memref<384x64xf32, #tpu.memory_space<vmem>> -> memref<128x64xf32, #tpu.memory_space<vmem>>
    %dma_start3A_468 = arith.constant 0 : i32
    %dma_start3A_469 = tpu.memref_slice %arg6[%dma_start3A_464, %dma_start3A_468] : memref<20x128xi32, #tpu.memory_space<vmem>> -> memref<1x128xi32, #tpu.memory_space<vmem>>
    %dma_start3A_470 = tpu.memref_squeeze %dma_start3A_469 : memref<1x128xi32, #tpu.memory_space<vmem>> -> memref<128xi32, #tpu.memory_space<vmem>>
    %dma_start3A_471 = arith.constant 0 : i32
    %dma_start3A_472 = arith.constant 0 : i32
    %dma_start3A_473 = tpu.memref_slice %arg11[%dma_start3A_471, %dma_start3A_472] : memref<5184x64xf32, #tpu.memory_space<vmem_shared>> -> memref<5184x64xf32, #tpu.memory_space<vmem_shared>>
    tpu.enqueue_indirect_dma source(%dma_start3A_467 : memref<128x64xf32, #tpu.memory_space<vmem>>) target(%dma_start3A_473 : memref<5184x64xf32, #tpu.memory_space<vmem_shared>>) offsets(%dma_start3A_470 : memref<128xi32, #tpu.memory_space<vmem>>) semaphore(%arg15 : memref<!tpu.dma_semaphore, #tpu.memory_space<semaphore_mem>>) {add = true}
    %dma_start3A_474 = arith.constant 19 : i32
    %dma_start3A_475 = arith.constant 80 : i32
    %dma_start3A_476 = arith.constant 0 : i32
    %dma_start3A_477 = tpu.memref_slice %arg9[%dma_start3A_475, %dma_start3A_476] : memref<384x64xf32, #tpu.memory_space<vmem>> -> memref<128x64xf32, #tpu.memory_space<vmem>>
    %dma_start3A_478 = arith.constant 0 : i32
    %dma_start3A_479 = tpu.memref_slice %arg6[%dma_start3A_474, %dma_start3A_478] : memref<20x128xi32, #tpu.memory_space<vmem>> -> memref<1x128xi32, #tpu.memory_space<vmem>>
    %dma_start3A_480 = tpu.memref_squeeze %dma_start3A_479 : memref<1x128xi32, #tpu.memory_space<vmem>> -> memref<128xi32, #tpu.memory_space<vmem>>
    %dma_start3A_481 = arith.constant 0 : i32
    %dma_start3A_482 = arith.constant 0 : i32
    %dma_start3A_483 = tpu.memref_slice %arg11[%dma_start3A_481, %dma_start3A_482] : memref<5184x64xf32, #tpu.memory_space<vmem_shared>> -> memref<5184x64xf32, #tpu.memory_space<vmem_shared>>
    tpu.enqueue_indirect_dma source(%dma_start3A_477 : memref<128x64xf32, #tpu.memory_space<vmem>>) target(%dma_start3A_483 : memref<5184x64xf32, #tpu.memory_space<vmem_shared>>) offsets(%dma_start3A_480 : memref<128xi32, #tpu.memory_space<vmem>>) semaphore(%arg15 : memref<!tpu.dma_semaphore, #tpu.memory_space<semaphore_mem>>) {add = true}
    %dma_wait3A_484 = arith.constant 9 : i32
    %dma_wait3A_485 = arith.constant 0 : i32
    %dma_wait3A_486 = arith.constant 0 : i32
    %dma_wait3A_487 = tpu.memref_slice %arg10[%dma_wait3A_485, %dma_wait3A_486] : memref<384x64xf32, #tpu.memory_space<vmem>> -> memref<128x64xf32, #tpu.memory_space<vmem>>
    %dma_wait3A_488 = arith.constant 0 : i32
    %dma_wait3A_489 = tpu.memref_slice %arg6[%dma_wait3A_484, %dma_wait3A_488] : memref<20x128xi32, #tpu.memory_space<vmem>> -> memref<1x128xi32, #tpu.memory_space<vmem>>
    %dma_wait3A_490 = tpu.memref_squeeze %dma_wait3A_489 : memref<1x128xi32, #tpu.memory_space<vmem>> -> memref<128xi32, #tpu.memory_space<vmem>>
    %dma_wait3A_491 = arith.constant 0 : i32
    %dma_wait3A_492 = arith.constant 0 : i32
    %dma_wait3A_493 = tpu.memref_slice %arg11[%dma_wait3A_491, %dma_wait3A_492] : memref<5184x64xf32, #tpu.memory_space<vmem_shared>> -> memref<5184x64xf32, #tpu.memory_space<vmem_shared>>
    tpu.wait_indirect_dma semaphore(%arg15 : memref<!tpu.dma_semaphore, #tpu.memory_space<semaphore_mem>>) src(%dma_wait3A_487 : memref<128x64xf32, #tpu.memory_space<vmem>>) dst(%dma_wait3A_493 : memref<5184x64xf32, #tpu.memory_space<vmem_shared>>)
    %dma_wait3A_494 = arith.constant 10 : i32
    %dma_wait3A_495 = arith.constant 128 : i32
    %dma_wait3A_496 = arith.constant 0 : i32
    %dma_wait3A_497 = tpu.memref_slice %arg10[%dma_wait3A_495, %dma_wait3A_496] : memref<384x64xf32, #tpu.memory_space<vmem>> -> memref<128x64xf32, #tpu.memory_space<vmem>>
    %dma_wait3A_498 = arith.constant 0 : i32
    %dma_wait3A_499 = tpu.memref_slice %arg6[%dma_wait3A_494, %dma_wait3A_498] : memref<20x128xi32, #tpu.memory_space<vmem>> -> memref<1x128xi32, #tpu.memory_space<vmem>>
    %dma_wait3A_500 = tpu.memref_squeeze %dma_wait3A_499 : memref<1x128xi32, #tpu.memory_space<vmem>> -> memref<128xi32, #tpu.memory_space<vmem>>
    %dma_wait3A_501 = arith.constant 0 : i32
    %dma_wait3A_502 = arith.constant 0 : i32
    %dma_wait3A_503 = tpu.memref_slice %arg11[%dma_wait3A_501, %dma_wait3A_502] : memref<5184x64xf32, #tpu.memory_space<vmem_shared>> -> memref<5184x64xf32, #tpu.memory_space<vmem_shared>>
    tpu.wait_indirect_dma semaphore(%arg15 : memref<!tpu.dma_semaphore, #tpu.memory_space<semaphore_mem>>) src(%dma_wait3A_497 : memref<128x64xf32, #tpu.memory_space<vmem>>) dst(%dma_wait3A_503 : memref<5184x64xf32, #tpu.memory_space<vmem_shared>>)
    %dma_wait3A_504 = arith.constant 11 : i32
    %dma_wait3A_505 = arith.constant 256 : i32
    %dma_wait3A_506 = arith.constant 0 : i32
    %dma_wait3A_507 = tpu.memref_slice %arg10[%dma_wait3A_505, %dma_wait3A_506] : memref<384x64xf32, #tpu.memory_space<vmem>> -> memref<128x64xf32, #tpu.memory_space<vmem>>
    %dma_wait3A_508 = arith.constant 0 : i32
    %dma_wait3A_509 = tpu.memref_slice %arg6[%dma_wait3A_504, %dma_wait3A_508] : memref<20x128xi32, #tpu.memory_space<vmem>> -> memref<1x128xi32, #tpu.memory_space<vmem>>
    %dma_wait3A_510 = tpu.memref_squeeze %dma_wait3A_509 : memref<1x128xi32, #tpu.memory_space<vmem>> -> memref<128xi32, #tpu.memory_space<vmem>>
    %dma_wait3A_511 = arith.constant 0 : i32
    %dma_wait3A_512 = arith.constant 0 : i32
    %dma_wait3A_513 = tpu.memref_slice %arg11[%dma_wait3A_511, %dma_wait3A_512] : memref<5184x64xf32, #tpu.memory_space<vmem_shared>> -> memref<5184x64xf32, #tpu.memory_space<vmem_shared>>
    tpu.wait_indirect_dma semaphore(%arg15 : memref<!tpu.dma_semaphore, #tpu.memory_space<semaphore_mem>>) src(%dma_wait3A_507 : memref<128x64xf32, #tpu.memory_space<vmem>>) dst(%dma_wait3A_513 : memref<5184x64xf32, #tpu.memory_space<vmem_shared>>)
    %dma_wait3A_514 = arith.constant 12 : i32
    %dma_wait3A_515 = arith.constant 0 : i32
    %dma_wait3A_516 = arith.constant 0 : i32
    %dma_wait3A_517 = tpu.memref_slice %arg7[%dma_wait3A_515, %dma_wait3A_516] : memref<384x64xf32, #tpu.memory_space<vmem>> -> memref<128x64xf32, #tpu.memory_space<vmem>>
    %dma_wait3A_518 = arith.constant 0 : i32
    %dma_wait3A_519 = tpu.memref_slice %arg6[%dma_wait3A_514, %dma_wait3A_518] : memref<20x128xi32, #tpu.memory_space<vmem>> -> memref<1x128xi32, #tpu.memory_space<vmem>>
    %dma_wait3A_520 = tpu.memref_squeeze %dma_wait3A_519 : memref<1x128xi32, #tpu.memory_space<vmem>> -> memref<128xi32, #tpu.memory_space<vmem>>
    %dma_wait3A_521 = arith.constant 0 : i32
    %dma_wait3A_522 = arith.constant 0 : i32
    %dma_wait3A_523 = tpu.memref_slice %arg11[%dma_wait3A_521, %dma_wait3A_522] : memref<5184x64xf32, #tpu.memory_space<vmem_shared>> -> memref<5184x64xf32, #tpu.memory_space<vmem_shared>>
    tpu.wait_indirect_dma semaphore(%arg15 : memref<!tpu.dma_semaphore, #tpu.memory_space<semaphore_mem>>) src(%dma_wait3A_517 : memref<128x64xf32, #tpu.memory_space<vmem>>) dst(%dma_wait3A_523 : memref<5184x64xf32, #tpu.memory_space<vmem_shared>>)
    %dma_wait3A_524 = arith.constant 13 : i32
    %dma_wait3A_525 = arith.constant 128 : i32
    %dma_wait3A_526 = arith.constant 0 : i32
    %dma_wait3A_527 = tpu.memref_slice %arg7[%dma_wait3A_525, %dma_wait3A_526] : memref<384x64xf32, #tpu.memory_space<vmem>> -> memref<128x64xf32, #tpu.memory_space<vmem>>
    %dma_wait3A_528 = arith.constant 0 : i32
    %dma_wait3A_529 = tpu.memref_slice %arg6[%dma_wait3A_524, %dma_wait3A_528] : memref<20x128xi32, #tpu.memory_space<vmem>> -> memref<1x128xi32, #tpu.memory_space<vmem>>
    %dma_wait3A_530 = tpu.memref_squeeze %dma_wait3A_529 : memref<1x128xi32, #tpu.memory_space<vmem>> -> memref<128xi32, #tpu.memory_space<vmem>>
    %dma_wait3A_531 = arith.constant 0 : i32
    %dma_wait3A_532 = arith.constant 0 : i32
    %dma_wait3A_533 = tpu.memref_slice %arg11[%dma_wait3A_531, %dma_wait3A_532] : memref<5184x64xf32, #tpu.memory_space<vmem_shared>> -> memref<5184x64xf32, #tpu.memory_space<vmem_shared>>
    tpu.wait_indirect_dma semaphore(%arg15 : memref<!tpu.dma_semaphore, #tpu.memory_space<semaphore_mem>>) src(%dma_wait3A_527 : memref<128x64xf32, #tpu.memory_space<vmem>>) dst(%dma_wait3A_533 : memref<5184x64xf32, #tpu.memory_space<vmem_shared>>)
    %dma_wait3A_534 = arith.constant 14 : i32
    %dma_wait3A_535 = arith.constant 256 : i32
    %dma_wait3A_536 = arith.constant 0 : i32
    %dma_wait3A_537 = tpu.memref_slice %arg7[%dma_wait3A_535, %dma_wait3A_536] : memref<384x64xf32, #tpu.memory_space<vmem>> -> memref<128x64xf32, #tpu.memory_space<vmem>>
    %dma_wait3A_538 = arith.constant 0 : i32
    %dma_wait3A_539 = tpu.memref_slice %arg6[%dma_wait3A_534, %dma_wait3A_538] : memref<20x128xi32, #tpu.memory_space<vmem>> -> memref<1x128xi32, #tpu.memory_space<vmem>>
    %dma_wait3A_540 = tpu.memref_squeeze %dma_wait3A_539 : memref<1x128xi32, #tpu.memory_space<vmem>> -> memref<128xi32, #tpu.memory_space<vmem>>
    %dma_wait3A_541 = arith.constant 0 : i32
    %dma_wait3A_542 = arith.constant 0 : i32
    %dma_wait3A_543 = tpu.memref_slice %arg11[%dma_wait3A_541, %dma_wait3A_542] : memref<5184x64xf32, #tpu.memory_space<vmem_shared>> -> memref<5184x64xf32, #tpu.memory_space<vmem_shared>>
    tpu.wait_indirect_dma semaphore(%arg15 : memref<!tpu.dma_semaphore, #tpu.memory_space<semaphore_mem>>) src(%dma_wait3A_537 : memref<128x64xf32, #tpu.memory_space<vmem>>) dst(%dma_wait3A_543 : memref<5184x64xf32, #tpu.memory_space<vmem_shared>>)
    %dma_wait3A_544 = arith.constant 15 : i32
    %dma_wait3A_545 = arith.constant 0 : i32
    %dma_wait3A_546 = arith.constant 0 : i32
    %dma_wait3A_547 = tpu.memref_slice %arg8[%dma_wait3A_545, %dma_wait3A_546] : memref<384x64xf32, #tpu.memory_space<vmem>> -> memref<128x64xf32, #tpu.memory_space<vmem>>
    %dma_wait3A_548 = arith.constant 0 : i32
    %dma_wait3A_549 = tpu.memref_slice %arg6[%dma_wait3A_544, %dma_wait3A_548] : memref<20x128xi32, #tpu.memory_space<vmem>> -> memref<1x128xi32, #tpu.memory_space<vmem>>
    %dma_wait3A_550 = tpu.memref_squeeze %dma_wait3A_549 : memref<1x128xi32, #tpu.memory_space<vmem>> -> memref<128xi32, #tpu.memory_space<vmem>>
    %dma_wait3A_551 = arith.constant 0 : i32
    %dma_wait3A_552 = arith.constant 0 : i32
    %dma_wait3A_553 = tpu.memref_slice %arg11[%dma_wait3A_551, %dma_wait3A_552] : memref<5184x64xf32, #tpu.memory_space<vmem_shared>> -> memref<5184x64xf32, #tpu.memory_space<vmem_shared>>
    tpu.wait_indirect_dma semaphore(%arg15 : memref<!tpu.dma_semaphore, #tpu.memory_space<semaphore_mem>>) src(%dma_wait3A_547 : memref<128x64xf32, #tpu.memory_space<vmem>>) dst(%dma_wait3A_553 : memref<5184x64xf32, #tpu.memory_space<vmem_shared>>)
    %dma_wait3A_554 = arith.constant 16 : i32
    %dma_wait3A_555 = arith.constant 128 : i32
    %dma_wait3A_556 = arith.constant 0 : i32
    %dma_wait3A_557 = tpu.memref_slice %arg8[%dma_wait3A_555, %dma_wait3A_556] : memref<384x64xf32, #tpu.memory_space<vmem>> -> memref<128x64xf32, #tpu.memory_space<vmem>>
    %dma_wait3A_558 = arith.constant 0 : i32
    %dma_wait3A_559 = tpu.memref_slice %arg6[%dma_wait3A_554, %dma_wait3A_558] : memref<20x128xi32, #tpu.memory_space<vmem>> -> memref<1x128xi32, #tpu.memory_space<vmem>>
    %dma_wait3A_560 = tpu.memref_squeeze %dma_wait3A_559 : memref<1x128xi32, #tpu.memory_space<vmem>> -> memref<128xi32, #tpu.memory_space<vmem>>
    %dma_wait3A_561 = arith.constant 0 : i32
    %dma_wait3A_562 = arith.constant 0 : i32
    %dma_wait3A_563 = tpu.memref_slice %arg11[%dma_wait3A_561, %dma_wait3A_562] : memref<5184x64xf32, #tpu.memory_space<vmem_shared>> -> memref<5184x64xf32, #tpu.memory_space<vmem_shared>>
    tpu.wait_indirect_dma semaphore(%arg15 : memref<!tpu.dma_semaphore, #tpu.memory_space<semaphore_mem>>) src(%dma_wait3A_557 : memref<128x64xf32, #tpu.memory_space<vmem>>) dst(%dma_wait3A_563 : memref<5184x64xf32, #tpu.memory_space<vmem_shared>>)
    %dma_wait3A_564 = arith.constant 17 : i32
    %dma_wait3A_565 = arith.constant 256 : i32
    %dma_wait3A_566 = arith.constant 0 : i32
    %dma_wait3A_567 = tpu.memref_slice %arg8[%dma_wait3A_565, %dma_wait3A_566] : memref<384x64xf32, #tpu.memory_space<vmem>> -> memref<128x64xf32, #tpu.memory_space<vmem>>
    %dma_wait3A_568 = arith.constant 0 : i32
    %dma_wait3A_569 = tpu.memref_slice %arg6[%dma_wait3A_564, %dma_wait3A_568] : memref<20x128xi32, #tpu.memory_space<vmem>> -> memref<1x128xi32, #tpu.memory_space<vmem>>
    %dma_wait3A_570 = tpu.memref_squeeze %dma_wait3A_569 : memref<1x128xi32, #tpu.memory_space<vmem>> -> memref<128xi32, #tpu.memory_space<vmem>>
    %dma_wait3A_571 = arith.constant 0 : i32
    %dma_wait3A_572 = arith.constant 0 : i32
    %dma_wait3A_573 = tpu.memref_slice %arg11[%dma_wait3A_571, %dma_wait3A_572] : memref<5184x64xf32, #tpu.memory_space<vmem_shared>> -> memref<5184x64xf32, #tpu.memory_space<vmem_shared>>
    tpu.wait_indirect_dma semaphore(%arg15 : memref<!tpu.dma_semaphore, #tpu.memory_space<semaphore_mem>>) src(%dma_wait3A_567 : memref<128x64xf32, #tpu.memory_space<vmem>>) dst(%dma_wait3A_573 : memref<5184x64xf32, #tpu.memory_space<vmem_shared>>)
    %dma_wait3A_574 = arith.constant 18 : i32
    %dma_wait3A_575 = arith.constant 0 : i32
    %dma_wait3A_576 = arith.constant 0 : i32
    %dma_wait3A_577 = tpu.memref_slice %arg9[%dma_wait3A_575, %dma_wait3A_576] : memref<384x64xf32, #tpu.memory_space<vmem>> -> memref<128x64xf32, #tpu.memory_space<vmem>>
    %dma_wait3A_578 = arith.constant 0 : i32
    %dma_wait3A_579 = tpu.memref_slice %arg6[%dma_wait3A_574, %dma_wait3A_578] : memref<20x128xi32, #tpu.memory_space<vmem>> -> memref<1x128xi32, #tpu.memory_space<vmem>>
    %dma_wait3A_580 = tpu.memref_squeeze %dma_wait3A_579 : memref<1x128xi32, #tpu.memory_space<vmem>> -> memref<128xi32, #tpu.memory_space<vmem>>
    %dma_wait3A_581 = arith.constant 0 : i32
    %dma_wait3A_582 = arith.constant 0 : i32
    %dma_wait3A_583 = tpu.memref_slice %arg11[%dma_wait3A_581, %dma_wait3A_582] : memref<5184x64xf32, #tpu.memory_space<vmem_shared>> -> memref<5184x64xf32, #tpu.memory_space<vmem_shared>>
    tpu.wait_indirect_dma semaphore(%arg15 : memref<!tpu.dma_semaphore, #tpu.memory_space<semaphore_mem>>) src(%dma_wait3A_577 : memref<128x64xf32, #tpu.memory_space<vmem>>) dst(%dma_wait3A_583 : memref<5184x64xf32, #tpu.memory_space<vmem_shared>>)
    %dma_wait3A_584 = arith.constant 19 : i32
    %dma_wait3A_585 = arith.constant 80 : i32
    %dma_wait3A_586 = arith.constant 0 : i32
    %dma_wait3A_587 = tpu.memref_slice %arg9[%dma_wait3A_585, %dma_wait3A_586] : memref<384x64xf32, #tpu.memory_space<vmem>> -> memref<128x64xf32, #tpu.memory_space<vmem>>
    %dma_wait3A_588 = arith.constant 0 : i32
    %dma_wait3A_589 = tpu.memref_slice %arg6[%dma_wait3A_584, %dma_wait3A_588] : memref<20x128xi32, #tpu.memory_space<vmem>> -> memref<1x128xi32, #tpu.memory_space<vmem>>
    %dma_wait3A_590 = tpu.memref_squeeze %dma_wait3A_589 : memref<1x128xi32, #tpu.memory_space<vmem>> -> memref<128xi32, #tpu.memory_space<vmem>>
    %dma_wait3A_591 = arith.constant 0 : i32
    %dma_wait3A_592 = arith.constant 0 : i32
    %dma_wait3A_593 = tpu.memref_slice %arg11[%dma_wait3A_591, %dma_wait3A_592] : memref<5184x64xf32, #tpu.memory_space<vmem_shared>> -> memref<5184x64xf32, #tpu.memory_space<vmem_shared>>
    tpu.wait_indirect_dma semaphore(%arg15 : memref<!tpu.dma_semaphore, #tpu.memory_space<semaphore_mem>>) src(%dma_wait3A_587 : memref<128x64xf32, #tpu.memory_space<vmem>>) dst(%dma_wait3A_593 : memref<5184x64xf32, #tpu.memory_space<vmem_shared>>)
    %barrier3A_594 = arith.constant 0 : index
    tpu.barrier barrier_id(%barrier3A_594)
    %mul3A_595 = arith.constant 312 : i32
    %mul3A_596 = arith.muli %arg1, %mul3A_595 : i32
    %add3A_597 = arith.addi %mul3A_20, %mul3A_596 : i32
    "tpu.region"() ({
      %run_scoped3A = tpu.sem_alloc : memref<!tpu.dma_semaphore, #tpu.memory_space<semaphore_mem>>
      %dma_start3A_600 = arith.constant 0 : i32
      %dma_start3A_601 = tpu.memref_slice %arg4[%add3A_597, %dma_start3A_600] : memref<10000x128xf32, #tpu.memory_space<hbm>> -> memref<312x64xf32, #tpu.memory_space<hbm>>
      %dma_start3A_602 = arith.constant 0 : i32
      %dma_start3A_603 = tpu.memref_slice %arg11[%mul3A_596, %dma_start3A_602] : memref<5184x64xf32, #tpu.memory_space<vmem_shared>> -> memref<312x64xf32, #tpu.memory_space<vmem_shared>>
      tpu.enqueue_dma source(%dma_start3A_603 : memref<312x64xf32, #tpu.memory_space<vmem_shared>>) target(%dma_start3A_601 : memref<312x64xf32, #tpu.memory_space<hbm>>) target_semaphore(%run_scoped3A : memref<!tpu.dma_semaphore, #tpu.memory_space<semaphore_mem>>)
      %dma_wait3A_604 = arith.constant 0 : i32
      %dma_wait3A_605 = tpu.memref_slice %arg4[%add3A_597, %dma_wait3A_604] : memref<10000x128xf32, #tpu.memory_space<hbm>> -> memref<312x64xf32, #tpu.memory_space<hbm>>
      %dma_wait3A_606 = arith.constant 0 : i32
      %dma_wait3A_607 = tpu.memref_slice %arg11[%mul3A_596, %dma_wait3A_606] : memref<5184x64xf32, #tpu.memory_space<vmem_shared>> -> memref<312x64xf32, #tpu.memory_space<vmem_shared>>
      tpu.wait_dma2 semaphore(%run_scoped3A : memref<!tpu.dma_semaphore, #tpu.memory_space<semaphore_mem>>) src(%dma_wait3A_607 : memref<312x64xf32, #tpu.memory_space<vmem_shared>>) dst(%dma_wait3A_605 : memref<312x64xf32, #tpu.memory_space<hbm>>)
      tpu.yield
    }) : () -> ()
    %eq3A = arith.constant 0 : i32
    %eq3A_598 = arith.cmpi eq, %arg1, %eq3A : i32
    %convert_element_type3A = arith.extui %eq3A_598 : i1 to i32
    %cond3A = arith.constant 0 : i32
    %cond3A_599 = arith.cmpi ne, %convert_element_type3A, %cond3A : i32
    scf.if %cond3A_599 {
      %add3A_600 = arith.constant 4992 : i32
      %add3A_601 = arith.addi %mul3A_20, %add3A_600 : i32
      "tpu.region"() ({
        %run_scoped3A = tpu.sem_alloc : memref<!tpu.dma_semaphore, #tpu.memory_space<semaphore_mem>>
        %dma_start3A_602 = arith.constant 0 : i32
        %dma_start3A_603 = tpu.memref_slice %arg4[%add3A_601, %dma_start3A_602] : memref<10000x128xf32, #tpu.memory_space<hbm>> -> memref<8x64xf32, #tpu.memory_space<hbm>>
        %dma_start3A_604 = arith.constant 4992 : i32
        %dma_start3A_605 = arith.constant 0 : i32
        %dma_start3A_606 = tpu.memref_slice %arg11[%dma_start3A_604, %dma_start3A_605] : memref<5184x64xf32, #tpu.memory_space<vmem_shared>> -> memref<8x64xf32, #tpu.memory_space<vmem_shared>>
        tpu.enqueue_dma source(%dma_start3A_606 : memref<8x64xf32, #tpu.memory_space<vmem_shared>>) target(%dma_start3A_603 : memref<8x64xf32, #tpu.memory_space<hbm>>) target_semaphore(%run_scoped3A : memref<!tpu.dma_semaphore, #tpu.memory_space<semaphore_mem>>)
        %dma_wait3A_607 = arith.constant 0 : i32
        %dma_wait3A_608 = tpu.memref_slice %arg4[%add3A_601, %dma_wait3A_607] : memref<10000x128xf32, #tpu.memory_space<hbm>> -> memref<8x64xf32, #tpu.memory_space<hbm>>
        %dma_wait3A_609 = arith.constant 4992 : i32
        %dma_wait3A_610 = arith.constant 0 : i32
        %dma_wait3A_611 = tpu.memref_slice %arg11[%dma_wait3A_609, %dma_wait3A_610] : memref<5184x64xf32, #tpu.memory_space<vmem_shared>> -> memref<8x64xf32, #tpu.memory_space<vmem_shared>>
        tpu.wait_dma2 semaphore(%run_scoped3A : memref<!tpu.dma_semaphore, #tpu.memory_space<semaphore_mem>>) src(%dma_wait3A_611 : memref<8x64xf32, #tpu.memory_space<vmem_shared>>) dst(%dma_wait3A_608 : memref<8x64xf32, #tpu.memory_space<hbm>>)
        tpu.yield
      }) : () -> ()
    } else {
    }
    return
  }
}

</mosaic_0001>

<sc_bundles>
// kernel: kernel.3.cloned.1.call-start
scs
__scs_entry_jumppad:
0x0: {  	(pc) =	sbr.rel $0x88, $3  }
0x1: {  	(tag) =	ssettag $0x0;
	lr =	simm.s32 $0x1  }
0x2: {  	[smem:$0x3F9F] =	sst lr;
	_ =	strace $0xD0000000  }
0x3: {  	_ = 	snop  }
0x4: {  	_ = 	snop  }
0x5: {  	_ = 	snop  }
0x6: {  	_ = 	snop  }
0x7: {  	_ = 	snop  }
__scs_overlays_trampoline_lowered:
0x8: {  	[smem:$0x3FAE] =	sst s0  }
0x9: {  	[smem:$0x3FAF] =	sst s1  }
0xa: {  	[smem:$0x3FB0] =	sst s2  }
0xb: {  	[smem:$0x3FB1] =	sst s3  }
0xc: {  	[smem:$0x3FB2] =	sst s4  }
0xd: {  	[smem:$0x3FB3] =	sst s5  }
0xe: {  	[smem:$0x3FB4] =	sst s6  }
0xf: {  	[smem:$0x3FB5] =	sst s7  }
0x10: {  	[smem:$0x3FB6] =	sst s8  }
0x11: {  	[smem:$0x3FB7] =	sst s9;
	s0 =	simm.s32 @!p0 $0x0  }
0x12: {  	s1 =	sld [smem:$0x3F9D];
	s0 =	simm.s32 @p0 $0x1  }
0x13: {  	[smem:$0x3FB8] =	sst s0;
	s0 =	simm.s32 @!p1 $0x0  }
0x14: {  	s2 =	sld [smem:$0x3F9C];
	s0 =	simm.s32 @p1 $0x1  }
0x15: {  	[smem:$0x3FB9] =	sst s0;
	s0 =	simm.s32 @!p2 $0x0  }
0x16: {  	s3 =	sld [smem:$0x3FDB];
	s0 =	simm.s32 @p2 $0x1  }
0x17: {  	s4 =	simm.s32 $0x1BF5;
	[smem:$0x3FBB] =	sst s0  }
0x18: {  	s0 =	sld [smem:$0x3F9E];
	_ =	swait.ge [sflag:s4], $0x0  }
0x19: {  	s7 =	sld [smem:$0x3F9F]  }
0x1a: {  	s8 =	sadd.s32 $0xFFFFE003, lr  }
0x1b: {  	s9 =	sadd.s32 $0xFFFFFEF7, lr;
	s5 =	simm.s32 $0xFFFFFFFF;
	p2 =	slt.u32 s8, $0xFFFFF086  }
0x1c: {  	p1 =	slt.u32 s9, $0xF7A;
	s5 =	simm.s32 @!p2 $0x0  }
0x1d: {  	s5 =	simm.s32 @p1 $0x1;
	p0 =	seq.s32 s7, s2  }
0x1e: {  	s7 =	smul.u32 @!p0 $0xF7A, s2;
	p2 =	seq.s32 @!p0 s5, $0x0  }
0x1f: {  	s9 =	smul.u32 $0xF7A, s1;
	s8 =	simm.s32 @!p0 $0x1BF5;
	p2 =	por !p2, p0  }
0x20: {  	[sflag:s8] =	ssyncset.s32 @!p0 $0xFFFFF086;
	s6 =	sadd.s32 @!p0 s3, s7;
	s7 =	simm.s32 @!p0 $0x108  }
0x21: {  	s3 =	sadd.s32 s3, s9;
	s6 =	sadd.s32 @!p0 $0x88, s6;
	s7 =	simm.s32 @p2 $0x1082  }
0x22: {  	[simem:s7], [sflag:s8] =	dma.local @!p0 [hbm:s6], $0xF7A  }
0x23: {  	s9 =	sor.u32 $0xD0000000, s2;
	s6 =	simm.s32 $0x108;
	_ =	swait.ge @!p0 [sflag:s8], $0x0  }
0x24: {  	s3 =	sadd.s32 $0x88, s3;
	s6 =	simm.s32 @!p1 $0x1082;
	[sflag:s4] =	ssyncset.s32 $0xFFFFF086  }
0x25: {  	[simem:s6], [sflag:s4] =	dma.local [hbm:s3], $0xF7A  }
0x26: {  	[smem:$0x3F9F] =	sst s1;
	(tag) =	ssettag s2;
	_ =	strace s9  }
0x27: {  	s1 =	sld [smem:$0x3FAF]  }
0x28: {  	s2 =	sld [smem:$0x3FB0]  }
0x29: {  	s4 =	sld [smem:$0x3FB2]  }
0x2a: {  	p0 =	seq.s32 s5, $0x0;
	s5 =	sld [smem:$0x3FB3]  }
0x2b: {  	s6 =	sld [smem:$0x3FB4]  }
0x2c: {  	s7 =	sld [smem:$0x3FB5]  }
0x2d: {  	s3 =	simm.s32 $0x108;
	s8 =	sld [smem:$0x3FB6]  }
0x2e: {  	s3 =	simm.s32 @!p0 $0x1082;
	s9 =	sld [smem:$0x3FB7]  }
0x2f: {  	lr =	sadd.s32 s0, s3;
	s0 =	sld [smem:$0x3FAE]  }
0x30: {  	s3 =	sld [smem:$0x3FB1]  }
0x31: {  	[smem:$0x3FBA] =	sst s10  }
0x32: {  	s10 =	sld [smem:$0x3FB8];
	_ =	sdelay $0x3  }
0x33: {  	p0 =	seq.s32 s10, $0x1;
	s10 =	sld [smem:$0x3FBA];
	_ =	sdelay $0x3  }
0x34: {  	[smem:$0x3FBA] =	sst s10  }
0x35: {  	s10 =	sld [smem:$0x3FB9];
	_ =	sdelay $0x3  }
0x36: {  	p1 =	seq.s32 s10, $0x1;
	s10 =	sld [smem:$0x3FBA];
	_ =	sdelay $0x3  }
0x37: {  	[smem:$0x3FBA] =	sst s10  }
0x38: {  	s10 =	sld [smem:$0x3FBB]  }
0x39: {  	_ = 	snop;
	(pc) =	sbr.ind lr, $3  }
0x3a: {  	_ = 	snop  }
0x3b: {  	_ = 	snop  }
0x3c: {  	p2 =	seq.s32 s10, $0x1;
	s10 =	sld [smem:$0x3FBA]  }
0x3d: {  	_ =	shalt  }
0x3e: {  	_ =	shalt  }
0x3f: {  	_ =	shalt  }
0x40: {  	_ =	shalt  }
0x41: {  	_ =	shalt  }
0x42: {  	_ =	shalt  }
0x43: {  	_ =	shalt  }
0x44: {  	_ =	shalt  }
0x45: {  	_ =	shalt  }
0x46: {  	_ =	shalt  }
0x47: {  	_ =	shalt  }
0x48: {  	_ =	shalt  }
0x49: {  	_ =	shalt  }
0x4a: {  	_ =	shalt  }
0x4b: {  	_ =	shalt  }
0x4c: {  	_ =	shalt  }
0x4d: {  	_ =	shalt  }
0x4e: {  	_ =	shalt  }
0x4f: {  	_ =	shalt  }
0x50: {  	_ =	shalt  }
0x51: {  	_ =	shalt  }
0x52: {  	_ =	shalt  }
0x53: {  	_ =	shalt  }
0x54: {  	_ =	shalt  }
0x55: {  	_ =	shalt  }
0x56: {  	_ =	shalt  }
0x57: {  	_ =	shalt  }
0x58: {  	_ =	shalt  }
0x59: {  	_ =	shalt  }
0x5a: {  	_ =	shalt  }
0x5b: {  	_ =	shalt  }
0x5c: {  	_ =	shalt  }
0x5d: {  	_ =	shalt  }
0x5e: {  	_ =	shalt  }
0x5f: {  	_ =	shalt  }
0x60: {  	_ =	shalt  }
0x61: {  	_ =	shalt  }
0x62: {  	_ =	shalt  }
0x63: {  	_ =	shalt  }
0x64: {  	_ =	shalt  }
0x65: {  	_ =	shalt  }
0x66: {  	_ =	shalt  }
0x67: {  	_ =	shalt  }
0x68: {  	_ =	shalt  }
0x69: {  	_ =	shalt  }
0x6a: {  	_ =	shalt  }
0x6b: {  	_ =	shalt  }
0x6c: {  	_ =	shalt  }
0x6d: {  	_ =	shalt  }
0x6e: {  	_ =	shalt  }
0x6f: {  	_ =	shalt  }
0x70: {  	_ =	shalt  }
0x71: {  	_ =	shalt  }
0x72: {  	_ =	shalt  }
0x73: {  	_ =	shalt  }
0x74: {  	_ =	shalt  }
0x75: {  	_ =	shalt  }
0x76: {  	_ =	shalt  }
0x77: {  	_ =	shalt  }
0x78: {  	_ =	shalt  }
0x79: {  	_ =	shalt  }
0x7a: {  	_ =	shalt  }
0x7b: {  	_ =	shalt  }
0x7c: {  	_ =	shalt  }
0x7d: {  	_ =	shalt  }
0x7e: {  	_ =	shalt  }
0x7f: {  	_ =	shalt  }
0x80: {  	_ =	shalt  }
0x81: {  	_ =	shalt  }
0x82: {  	_ =	shalt  }
0x83: {  	_ =	shalt  }
0x84: {  	_ =	shalt  }
0x85: {  	_ =	shalt  }
0x86: {  	_ =	shalt  }
0x87: {  	_ =	shalt  }
.Lfunc_end0:
.L_simem_size_0:
called_computation_lowered:
.L_overlay_start_0:
0x88: {  	s2 =	sld [smem:$0x3FD9]  }
0x89: {  	s3 =	sld [smem:$0x3FFE];
	_ =	sdelay $0x1  }
0x8a: {  	s1 =	srdreg.scid  }
0x8b: {  	s0 =	sand.u32 $0x1, s1  }
0x8c: {  	s17 =	sshll.u32 s0, $0xA;
	s2 =	sadd.s32 s3, s2  }
0x8d: {  	s2 =	sadd.s32 s2, s17  }
0x8e: {  	[smem:$0x3FC6] =	sst s2  }
0x8f: {  	_ = 	snop  }
0x90: {  	s2 =	sld [smem:$0x3FC8];
	(tm) =	ssettm $0x1  }
0x91: {  	s18 =	sld [smem:$0x3FFB];
	_ =	sdelay $0x3  }
0x92: {  	_ =	strace s18  }
0x93: {  	s3 =	sld [smem:$0x3FFC];
	_ =	sdelay $0x3  }
0x94: {  	_ =	strace s3  }
0x95: {  	s3 =	sld [smem:$0x3FFD];
	_ =	sdelay $0x3  }
0x96: {  	_ =	strace s3  }
0x97: {  	_ =	strace $0x8FFFFFFF  }
0x98: {  	s19 =	sld [smem:$0x3FDB];
	_ =	sdelay $0x1  }
0x99: {  	s4 =	simm.s32 $_scs_section_size  }
0x9a: {  	s5 =	simm.s32 $_size__tile_overlayer_lowered;
	s6 =	simm.s32 $_tile_overlayer_lowered  }
0x9b: {  	s22 =	simm.s32 $0x1BFF;
	s21 =	sshll.u32 s6, $0x1;
	s3 =	sadd.s32 s4, s19  }
0x9c: {  	s7 =	simm.s32 $0x0;
	s20 =	sshll.u32 s5, $0x1;
	s5 =	sadd.s32 s21, s3  }
0x9d: {  	[timem:s7], [sflag:s22] =	dma.local [hbm:s5], s20  }
0x9e: {  	_ =	swait.ge [sflag:s22], s20  }
0x9f: {  	s4 =	ssub.s32 $0x0, s20;
	[sflag:s22] =	ssyncset.done $0x0  }
0xa0: {  	[sflag:s22] =	ssyncadd.s32 s4;
	_ =	sdelay $0x1  }
0xa1: {  	s23 =	simm.s32 $0x1B8B  }
0xa2: {  	_ =	swait.ge [sflag:s23], $0x1  }
0xa3: {  	[sflag:s23] =	ssyncset.done $0x0  }
0xa4: {  	s25 =	simm.s32 $0x1B8E;
	s24 =	sld [smem:$0x3FFE];
	[sflag:s23] =	ssyncadd.s32 $0xFFFFFFFF  }
0xa5: {  	s26 =	simm.s32 $execute0_lowered;
	[smem:$0x3FD2] =	sst s25  }
0xa6: {  	s5 =	sshll.u32 s26, $0x1;
	_ =	strace $0x80000046;
	[dreg:$0x1] =	wrdreg $0xFFFFFFFF  }
0xa7: {  	s28 =	simm.s32 $_size_execute0_lowered;
	s3 =	sadd.s32 s3, s5;
	[dreg:$0x0] =	wrdreg $0x0  }
0xa8: {  	s5 =	sshll.u32 s28, $0x1;
	[dreg:$0x2] =	wrdreg s3  }
0xa9: {  	[dreg:$0x3] =	wrdreg s5  }
0xaa: {  	[dreg:$0x4] =	wrdreg $0xC0  }
0xab: {  	_ =	task [dreg:s7], $0x5FFFF  }
0xac: {  	[dreg:$0x1] =	wrdreg $0xFFFFFFFF  }
0xad: {  	[dreg:$0x0] =	wrdreg $0x60  }
0xae: {  	[dreg:$0x2] =	wrdreg s24  }
0xaf: {  	[dreg:$0x3] =	wrdreg s2  }
0xb0: {  	[dreg:$0x4] =	wrdreg $0x193D00  }
0xb1: {  	[dreg:$0x5] =	wrdreg $0x9  }
0xb2: {  	_ =	task.clear_ibuf [dreg:s7], $0x6FFFF;
	_ =	strace $0x90000046  }
0xb3: {  	s29 =	simm.s32 $0x9;
	_ =	strace $0x80000048  }
0xb4: {  	_ =	swait.ge [sflag:s29], $0x1  }
0xb5: {  	[sflag:s29] =	ssyncadd.s32 $0xFFFFFFFF  }
0xb6: {  	_ =	strace $0x90000048  }
0xb7: {  	_ =	sfence  }
0xb8: {  	s30 =	sld [smem:$0x0];
	_ =	sdelay $0x2  }
0xb9: {  	s31 =	sshll.u32 s1, $0xD;
	s1 =	sshrl.u32 s1, $0x2  }
0xba: {  	s3 =	sand.u32 $0x4000, s31;
	s1 =	sadd.s32 s1, s30  }
0xbb: {  	s0 =	sor.u32 s3, s0;
	s1 =	sshll.u32 s1, $0x11  }
0xbc: {  	s0 =	sor.u32 s1, s0  }
0xbd: {  	s0 =	sadd.s32 $0x8F2B, s0  }
0xbe: {  	[sflag:s0] =	ssyncadd.remote.s32 $0x1  }
0xbf: {  	_ =	sfence.sel $0xFFFF  }
0xc0: {  	[dreg:$0x0] =	wrdreg $0xFFFFFFFF;
	(pc) =	sbr.abs _section_cstart, $3  }
0xc1: {  	[dreg:$0x1] =	wrdreg $0xFFFFFFFF  }
0xc2: {  	_ =	task.clear_ibuf [dreg:s7], $0x2FFFF;
	_ =	strace $0x9FFFFFFF  }
0xc3: {  	(tm) =	ssettm $0x7FFFFFFF  }
tec
execute0_lowered:
.L_overlay_start_1:
0x0: {  	(tag) =	ssettag $0x1  }
0x1: {  	s0 =	rddreg [dreg:$0x0]  }
0x2: {  	s5 =	rddreg [dreg:$0x1]  }
0x3: {  	s1 =	rddreg [dreg:$0x2];
	s3 =	srdreg.scid  }
0x4: {  	s2 =	simm.s32 $0x0;
	s8 =	stileid.u32;
	s28 =	simm.s32 $0xD3D0  }
0x5: {  	s29 =	simm.s32 $0x133D0;
	s7 =	sand.u32 $0x1, s3;
	s3 =	smul.u32 $0x9C4, s8  }
0x6: {  	s30 =	simm.s32 $0x1;
	s31 =	simm.s32 $0x8;
	s13 =	smul.u32 $0x14400, s8  }
0x7: {  	[smem:$0x7FF] =	sst s2;
	s9 =	sadd.s32 $0x400, s0;
	s26 =	smul.u32 $0x1440, s8  }
0x8: {  	s0 =	sadd.s32 $0x9C800, s0;
	s18 =	sshll.u32 s8, $0x6;
	s19 =	smul.u32 $0x138, s8  }
0x9: {  	s21 =	smul.u32 $0x13800, s8;
	p0 =	sne.s32 s8, $0x0;
	s8 =	simm.s32 $0x33D0  }
0xa: {  	s4 =	ssub.s32 $0x2, s7;
	_ =	strace $0x80000047;
	s11 =	smul.u32 $0x1388, s7  }
0xb: {  	[dreg:$0x9] =	wrdreg s18;
	s7 =	smul.u32 $0x9C400, s7;
	s6 =	sshrl.u32 s4, $0x1  }
0xc: {  	s25 =	sshll.u32 s3, $0x4;
	s16 =	sshrl.u32 s13, $0x2;
	s24 =	sshrl.u32 s21, $0x2  }
0xd: {  	s10 =	ssub.s32 s4, s6;
	s4 =	sand.u32 $0xFFF0, s3;
	s6 =	sand.u32 $0xFFF00, s25  }
0xe: {  	s22 =	sshrl.u32 s7, $0x3;
	s12 =	sshrl.u32 s4, $0x3;
	s25 =	smax.u32 s10, $0x1  }
0xf: {  	s6 =	sadd.s32 s9, s6;
	s5 =	sadd.s32 s5, s12;
	[dreg:$0x10] =	wrdreg s25  }
0x10: {  	s7 =	simm.s32 $0x2;
	s14 =	sadd.s32 $0x1800, s6;
	[dreg:$0x4] =	wrdreg s5  }
0x11: {  	s13 =	sadd.s32 $0x980, s4;
	s15 =	sadd.s32 $0x3000, s6;
	[dreg:$0x5] =	wrdreg s14  }
0x12: {  	s10 =	simm.s32 $0x4;
	s17 =	sadd.s32 $0x4800, s6;
	[dreg:$0x6] =	wrdreg s15  }
0x13: {  	s12 =	sadd.s32 s16, s1;
	s20 =	sadd.s32 $0x6000, s6;
	[dreg:$0x7] =	wrdreg s17  }
0x14: {  	s16 =	sadd.s32 $0x1388, s11;
	s23 =	sadd.s32 $0x9000, s6;
	[dreg:$0xb] =	wrdreg s20  }
0x15: {  	s5 =	sadd.s32 s26, s9;
	s9 =	sor.u32 $0x1C03, s18;
	[dreg:$0xe] =	wrdreg s23  }
0x16: {  	s25 =	simm.s32 $0x13D0;
	s14 =	sadd.s32 $0x7800, s6;
	[dreg:$0xa] =	wrdreg s9  }
0x17: {  	s15 =	sadd.s32 $0x9C4, s3;
	s26 =	sshrl.u32 s12, $0x3;
	[dreg:$0xc] =	wrdreg s14  }
0x18: {  	s23 =	simm.s32 $0x40;
	s5 =	sadd.s32 $0x8, s5;
	[dreg:$0x11] =	wrdreg s26  }
0x19: {  	s12 =	simm.s32 $0x93D0;
	[dreg:$0x8] =	wrdreg s5;
	s5 =	sadd.s32 s19, s11  }
0x1a: {  	s26 =	simm.s32 $0x73D0;
	s9 =	simm.s32 $0x53D0;
	s5 =	sshll.u32 s5, $0x4  }
0x1b: {  	s14 =	simm.s32 $0xB3D0;
	v0 =	vmov s15;
	s15 =	simm.s32 $0x0;
	s5 =	sadd.s32 s0, s5  }
0x1c: {  	v1 =	vmov s11;
	s11 =	simm.s32 $0x5;
	s0 =	sadd.s32 s0, s22;
	[dreg:$0xd] =	wrdreg s5  }
0x1d: {  	s5 =	sadd.s32 s24, s1;
	s0 =	sadd.s32 $0x13800, s0;
	s24 =	simm.s32 $0x80  }
0x1e: {  	[dreg:$0xf] =	wrdreg s0;
	s0 =	sadd.s32 $0x4E000, s1;
	s21 =	sshrl.u32 s5, $0x3  }
0x1f: {  	v3 =	vlaneseq.u32;
	v2 =	vmov s16;
	s5 =	simm.s32 $0x3;
	s22 =	sshrl.u32 @!p0 s0, $0x3;
	s0 =	simm.s32 $0x10  }
.LBB2_1:
0x20: {  	s16 =	rddreg [dreg:$0x4]  }
0x21: {  	s20 =	rddreg [dreg:$0x5]  }
0x22: {  	[tilespmem:s2], [sflag:$0x1] =	stream.linear.gather [hbm4b:s16+s2], $0x9D0, $0x38;
	[tilespmem:$0x1E4D0] =	vst v63  }
0x23: {  	s17 =	rddreg [dreg:$0x6]  }
0x24: {  	[tilespmem:s25], [sflag:$0x2] =	stream.strided.gather [hbm4b:s6+s23], $0x6000, s24, s23, $0x38;
	[tilespmem:$0x1E4D0] =	vst v63  }
0x25: {  	s18 =	rddreg [dreg:$0x7]  }
0x26: {  	[tilespmem:s26], [sflag:$0x2] =	stream.strided.gather [hbm4b:s20+s23], $0x6000, s24, s23, $0x38;
	[tilespmem:$0x1E4D0] =	vst v63  }
0x27: {  	s19 =	rddreg [dreg:$0x8]  }
0x28: {  	[tilespmem:s28], [sflag:$0x2] =	stream.strided.gather [hbm4b:s17+s23], $0x6000, s24, s23, $0x38;
	[tilespmem:$0x1E4D0] =	vst v63  }
0x29: {  	s17 =	rddreg [dreg:$0xa]  }
0x2a: {  	[tilespmem:s29], [sflag:$0x2] =	stream.strided.gather [hbm4b:s18+s23], $0x6000, s24, s23, $0x38;
	[tilespmem:$0x1E4D0] =	vst v63  }
0x2b: {  	s18 =	rddreg [dreg:$0x11]  }
0x2c: {  	[spmem:s18@s31], [sflag:s17] =	dma.strided [hbm:s19@s0], $0xA20, s30, $0x8   }
0x2d: {  	p1 =	por $0x1, $0x1;
	s16 =	sand.u32 $0xF80, s2;
	_ =	swait.ge [sflag:s30], $0x9D0  }
0x2e: {  	s16 =	simm.s32 @!p1 $0x950;
	s20 =	sand.u32 $0x7FFFF070, s2;
	[sflag:s30] =	ssyncset.done $0x0  }
0x2f: {  	s16 =	sadd.s32 s20, s16;
	[sflag:s30] =	ssyncadd.s32 $0xFFFFF630  }
0x30: {  	v5 =	vld [tilespmem:s16+$0x0];
	_ =	sdelay $0x1  }
0x31: {  	s17 =	smov.u32 s13;
	s16 =	sadd.s32 s4, s16  }
0x32: {  	s17 =	smov.u32 @p1 s3;
	v4 =	vor.u32 s16, v3  }
0x33: {  	vm0 =	vge.u32 v4, s17;
	vm1 =	vlt.u32 v4, v0  }
0x34: {  	vm0 =	vmand vm0, vm1;
	vm1 =	vge.s32 v5, v1  }
0x35: {  	s18 =	simm.s32 $0x2;
	v4 =	vand.u32 $0x7F, v4;
	s17 =	simm.s32 $0x10;
	vm0 =	vmand vm0, vm1;
	vm1 =	vlt.s32 v5, v2  }
0x36: {  	p1 =	por $0x1, $0x1;
	s16 =	simm.s32 $0x9D0;
	s19 =	sand.u32 $0xF80, s17;
	v4 =	vadd.s32 $0x1388, v4;
	v5 =	vsub.s32 v5, v1;
	vm0 =	vmand vm1, vm0  }
.LBB2_2:
0x37: {  	p2 =	sne.s32 s18, $0x9F;
	s19 =	simm.s32 @!p1 $0x950;
	s20 =	sand.u32 $0x7FFFF070, s17;
	v4 =	vsel vm0, v5, v4  }
0x38: {  	s19 =	sadd.s32 s20, s19;
	[tilespmem:s16+$0x0] =	vst v4  }
0x39: {  	v5 =	vld [tilespmem:s19+$0x0];
	_ =	sdelay $0x1  }
0x3a: {  	s20 =	smov.u32 s13;
	s19 =	sadd.s32 s4, s19  }
.Ltmp0:
0x3b: {  	s20 =	smov.u32 @p1 s3;
	v4 =	vor.u32 s19, v3;
	(pc) =	sbr.rel @p2 .LBB2_2-.Ltmp0, $4  }
0x3c: {  	vm0 =	vge.u32 v4, s20;
	vm1 =	vlt.u32 v4, v0  }
0x3d: {  	vm0 =	vmand vm0, vm1;
	vm1 =	vge.s32 v5, v1  }
0x3e: {  	s17 =	sadd.s32 $0x10, s17;
	s16 =	sadd.s32 $0x10, s16;
	v4 =	vand.u32 $0x7F, v4;
	vm0 =	vmand vm0, vm1;
	vm1 =	vlt.s32 v5, v2  }
0x3f: {  	p1 =	slt.u32 s18, $0x98;
	s18 =	sadd.s32 $0x1, s18;
	s19 =	sand.u32 $0xF80, s17;
	v4 =	vadd.s32 $0x1388, v4;
	v5 =	vsub.s32 v5, v1;
	vm0 =	vmand vm1, vm0  }
0x40: {  	s19 =	simm.s32 @!p1 $0x950;
	s17 =	sand.u32 $0x7FFFF070, s17;
	v4 =	vsel vm0, v5, v4  }
0x41: {  	s17 =	sadd.s32 s17, s19;
	[tilespmem:s16+$0x0] =	vst v4  }
0x42: {  	v4 =	vld [tilespmem:s17+$0x0];
	_ =	sdelay $0x1  }
0x43: {  	s18 =	smov.u32 s13;
	s17 =	sadd.s32 s4, s17  }
0x44: {  	s18 =	smov.u32 @p1 s3;
	v5 =	vor.u32 s17, v3  }
0x45: {  	vm13 =	vge.u32 v5, s18;
	vm1 =	vlt.u32 v5, v0  }
0x46: {  	vm0 =	vmand vm13, vm1;
	vm14 =	vge.s32 v4, v1  }
0x47: {  	v5 =	vand.u32 $0x7F, v5;
	vm15 =	vlt.s32 v4, v2;
	vm0 =	vmand vm0, vm14  }
0x48: {  	v5 =	vadd.s32 $0x1388, v5;
	v4 =	vsub.s32 v4, v1;
	vm0 =	vmand vm15, vm0  }
0x49: {  	s19 =	sadd.s32 $0x10, s16;
	v4 =	vsel vm0, v4, v5  }
0x4a: {  	[tilespmem:s19+$0x0] =	vst v4  }
0x4b: {  	_ =	swait.ge [sflag:s5], $0xA20  }
0x4c: {  	[sflag:s5] =	ssyncset.done $0x0  }
0x4d: {  	[sflag:s5] =	ssyncadd.s32 $0xFFFFF5E0  }
0x4e: {  	[bflag:$0x0] =	sbarrier.arrive $0xFFFF  }
0x4f: {  	_ =	swait.ge [sflag:s7], $0x6000  }
0x50: {  	[sflag:s7] =	ssyncset.done $0x0  }
0x51: {  	s20 =	simm.s32 $0x9D0;
	[sflag:s7] =	ssyncadd.s32 $0xFFFFA000  }
0x52: {  	[spmem:s1] =	stream.indirect.scatter.add.f32 [tilespmem:s25], [sflag:$0x4], $0x40, s20, s24, $0xb8;
	[tilespmem:$0x1E4D0] =	vst v63  }
0x53: {  	s17 =	simm.s32 $0xA50  }
0x54: {  	[spmem:s1] =	stream.indirect.scatter.add.f32 [tilespmem:s8], [sflag:$0x4], $0x40, s17, s24, $0xb8;
	[tilespmem:$0x1E4D0] =	vst v63  }
0x55: {  	s18 =	simm.s32 $0xAD0  }
0x56: {  	[spmem:s1] =	stream.indirect.scatter.add.f32 [tilespmem:s9], [sflag:$0x4], $0x40, s18, s24, $0xb8;
	[tilespmem:$0x1E4D0] =	vst v63  }
0x57: {  	_ =	swait.ge [sflag:s10], $0x2000  }
0x58: {  	[sflag:s10] =	ssyncset.done $0x0  }
0x59: {  	[sflag:s10] =	ssyncadd.s32 $0xFFFFE000  }
0x5a: {  	_ =	swait.ge [sflag:s10], $0x2000  }
0x5b: {  	[sflag:s10] =	ssyncset.done $0x0  }
0x5c: {  	[sflag:s10] =	ssyncadd.s32 $0xFFFFE000  }
0x5d: {  	_ =	swait.ge [sflag:s10], $0x2000  }
0x5e: {  	[sflag:s10] =	ssyncset.done $0x0  }
0x5f: {  	s19 =	rddreg [dreg:$0xb];
	[sflag:s10] =	ssyncadd.s32 $0xFFFFE000  }
0x60: {  	[tilespmem:s25], [sflag:$0x2] =	stream.strided.gather [hbm4b:s19+s23], $0x6000, s24, s23, $0x38;
	[tilespmem:$0x1E4D0] =	vst v63  }
0x61: {  	_ =	swait.ge [sflag:s7], $0x6000  }
0x62: {  	[sflag:s7] =	ssyncset.done $0x0  }
0x63: {  	s20 =	simm.s32 $0xB50;
	[sflag:s7] =	ssyncadd.s32 $0xFFFFA000  }
0x64: {  	[spmem:s1] =	stream.indirect.scatter.add.f32 [tilespmem:s26], [sflag:$0x4], $0x40, s20, s24, $0xb8;
	[tilespmem:$0x1E4D0] =	vst v63  }
0x65: {  	s17 =	simm.s32 $0xBD0  }
0x66: {  	[spmem:s1] =	stream.indirect.scatter.add.f32 [tilespmem:s12], [sflag:$0x4], $0x40, s17, s24, $0xb8;
	[tilespmem:$0x1E4D0] =	vst v63  }
0x67: {  	s18 =	simm.s32 $0xC50  }
0x68: {  	[spmem:s1] =	stream.indirect.scatter.add.f32 [tilespmem:s14], [sflag:$0x4], $0x40, s18, s24, $0xb8;
	[tilespmem:$0x1E4D0] =	vst v63  }
0x69: {  	_ =	swait.ge [sflag:s10], $0x2000  }
0x6a: {  	[sflag:s10] =	ssyncset.done $0x0  }
0x6b: {  	[sflag:s10] =	ssyncadd.s32 $0xFFFFE000  }
0x6c: {  	_ =	swait.ge [sflag:s10], $0x2000  }
0x6d: {  	[sflag:s10] =	ssyncset.done $0x0  }
0x6e: {  	[sflag:s10] =	ssyncadd.s32 $0xFFFFE000  }
0x6f: {  	_ =	swait.ge [sflag:s10], $0x2000  }
0x70: {  	[sflag:s10] =	ssyncset.done $0x0  }
0x71: {  	s19 =	rddreg [dreg:$0xc];
	[sflag:s10] =	ssyncadd.s32 $0xFFFFE000  }
0x72: {  	[tilespmem:s26], [sflag:$0x2] =	stream.strided.gather [hbm4b:s19+s23], $0x6000, s24, s23, $0x38;
	[tilespmem:$0x1E4D0] =	vst v63  }
0x73: {  	_ =	swait.ge [sflag:s7], $0x6000  }
0x74: {  	[sflag:s7] =	ssyncset.done $0x0  }
0x75: {  	s20 =	simm.s32 $0xCD0;
	[sflag:s7] =	ssyncadd.s32 $0xFFFFA000  }
0x76: {  	[spmem:s1] =	stream.indirect.scatter.add.f32 [tilespmem:s28], [sflag:$0x4], $0x40, s20, s24, $0xb8;
	[tilespmem:$0x1E4D0] =	vst v63  }
0x77: {  	s17 =	simm.s32 $0xD50;
	s18 =	simm.s32 $0xF3D0  }
0x78: {  	[spmem:s1] =	stream.indirect.scatter.add.f32 [tilespmem:s18], [sflag:$0x4], $0x40, s17, s24, $0xb8;
	[tilespmem:$0x1E4D0] =	vst v63  }
0x79: {  	s19 =	simm.s32 $0xDD0;
	s20 =	simm.s32 $0x113D0  }
0x7a: {  	[spmem:s1] =	stream.indirect.scatter.add.f32 [tilespmem:s20], [sflag:$0x4], $0x40, s19, s24, $0xb8;
	[tilespmem:$0x1E4D0] =	vst v63  }
0x7b: {  	_ =	swait.ge [sflag:s10], $0x2000  }
0x7c: {  	[sflag:s10] =	ssyncset.done $0x0  }
0x7d: {  	[sflag:s10] =	ssyncadd.s32 $0xFFFFE000  }
0x7e: {  	_ =	swait.ge [sflag:s10], $0x2000  }
0x7f: {  	[sflag:s10] =	ssyncset.done $0x0  }
0x80: {  	[sflag:s10] =	ssyncadd.s32 $0xFFFFE000  }
0x81: {  	_ =	swait.ge [sflag:s10], $0x2000  }
0x82: {  	[sflag:s10] =	ssyncset.done $0x0  }
0x83: {  	s17 =	rddreg [dreg:$0xe];
	[sflag:s10] =	ssyncadd.s32 $0xFFFFE000  }
0x84: {  	[tilespmem:s28], [sflag:$0x2] =	stream.strided.gather [hbm4b:s17+s23], $0x3400, s24, s23, $0x38;
	[tilespmem:$0x1E4D0] =	vst v63  }
0x85: {  	_ =	swait.ge [sflag:s7], $0x6000  }
0x86: {  	[sflag:s7] =	ssyncset.done $0x0  }
0x87: {  	s18 =	simm.s32 $0xE50;
	[sflag:s7] =	ssyncadd.s32 $0xFFFFA000  }
0x88: {  	[spmem:s1] =	stream.indirect.scatter.add.f32 [tilespmem:s29], [sflag:$0x4], $0x40, s18, s24, $0xb8;
	[tilespmem:$0x1E4D0] =	vst v63  }
0x89: {  	s19 =	simm.s32 $0xED0;
	s20 =	simm.s32 $0x153D0  }
0x8a: {  	[spmem:s1] =	stream.indirect.scatter.add.f32 [tilespmem:s20], [sflag:$0x4], $0x40, s19, s24, $0xb8;
	[tilespmem:$0x1E4D0] =	vst v63  }
0x8b: {  	s18 =	simm.s32 $0xF50;
	s19 =	simm.s32 $0x173D0  }
0x8c: {  	[spmem:s1] =	stream.indirect.scatter.add.f32 [tilespmem:s19], [sflag:$0x4], $0x40, s18, s24, $0xb8;
	[tilespmem:$0x1E4D0] =	vst v63  }
0x8d: {  	_ =	swait.ge [sflag:s7], $0x6000  }
0x8e: {  	[sflag:s7] =	ssyncset.done $0x0  }
0x8f: {  	s20 =	simm.s32 $0xFD0;
	[sflag:s7] =	ssyncadd.s32 $0xFFFFA000  }
0x90: {  	[spmem:s1] =	stream.indirect.scatter.add.f32 [tilespmem:s25], [sflag:$0x4], $0x40, s20, s24, $0xb8;
	[tilespmem:$0x1E4D0] =	vst v63  }
0x91: {  	s17 =	simm.s32 $0x1050  }
0x92: {  	[spmem:s1] =	stream.indirect.scatter.add.f32 [tilespmem:s8], [sflag:$0x4], $0x40, s17, s24, $0xb8;
	[tilespmem:$0x1E4D0] =	vst v63  }
0x93: {  	s18 =	simm.s32 $0x10D0  }
0x94: {  	[spmem:s1] =	stream.indirect.scatter.add.f32 [tilespmem:s9], [sflag:$0x4], $0x40, s18, s24, $0xb8;
	[tilespmem:$0x1E4D0] =	vst v63  }
0x95: {  	_ =	swait.ge [sflag:s7], $0x6000  }
0x96: {  	[sflag:s7] =	ssyncset.done $0x0  }
0x97: {  	s19 =	simm.s32 $0x1150;
	[sflag:s7] =	ssyncadd.s32 $0xFFFFA000  }
0x98: {  	[spmem:s1] =	stream.indirect.scatter.add.f32 [tilespmem:s26], [sflag:$0x4], $0x40, s19, s24, $0xb8;
	[tilespmem:$0x1E4D0] =	vst v63  }
0x99: {  	s20 =	simm.s32 $0x11D0  }
0x9a: {  	[spmem:s1] =	stream.indirect.scatter.add.f32 [tilespmem:s12], [sflag:$0x4], $0x40, s20, s24, $0xb8;
	[tilespmem:$0x1E4D0] =	vst v63  }
0x9b: {  	s17 =	simm.s32 $0x1250  }
0x9c: {  	[spmem:s1] =	stream.indirect.scatter.add.f32 [tilespmem:s14], [sflag:$0x4], $0x40, s17, s24, $0xb8;
	[tilespmem:$0x1E4D0] =	vst v63  }
0x9d: {  	_ =	swait.ge [sflag:s7], $0x3400  }
0x9e: {  	[sflag:s7] =	ssyncset.done $0x0  }
0x9f: {  	s18 =	simm.s32 $0x12D0;
	[sflag:s7] =	ssyncadd.s32 $0xFFFFCC00  }
0xa0: {  	[spmem:s1] =	stream.indirect.scatter.add.f32 [tilespmem:s28], [sflag:$0x4], $0x40, s18, s24, $0xb8;
	[tilespmem:$0x1E4D0] =	vst v63  }
0xa1: {  	s19 =	simm.s32 $0x1350;
	s20 =	simm.s32 $0xE7D0  }
0xa2: {  	[spmem:s1] =	stream.indirect.scatter.add.f32 [tilespmem:s20], [sflag:$0x4], $0x40, s19, s24, $0xb8;
	[tilespmem:$0x1E4D0] =	vst v63  }
0xa3: {  	_ =	swait.ge [sflag:s10], $0x2000  }
0xa4: {  	[sflag:s10] =	ssyncset.done $0x0  }
0xa5: {  	[sflag:s10] =	ssyncadd.s32 $0xFFFFE000  }
0xa6: {  	_ =	swait.ge [sflag:s10], $0x2000  }
0xa7: {  	[sflag:s10] =	ssyncset.done $0x0  }
0xa8: {  	[sflag:s10] =	ssyncadd.s32 $0xFFFFE000  }
0xa9: {  	_ =	swait.ge [sflag:s10], $0x2000  }
0xaa: {  	[sflag:s10] =	ssyncset.done $0x0  }
0xab: {  	[sflag:s10] =	ssyncadd.s32 $0xFFFFE000  }
0xac: {  	_ =	swait.ge [sflag:s10], $0x2000  }
0xad: {  	[sflag:s10] =	ssyncset.done $0x0  }
0xae: {  	[sflag:s10] =	ssyncadd.s32 $0xFFFFE000  }
0xaf: {  	_ =	swait.ge [sflag:s10], $0x2000  }
0xb0: {  	[sflag:s10] =	ssyncset.done $0x0  }
0xb1: {  	[sflag:s10] =	ssyncadd.s32 $0xFFFFE000  }
0xb2: {  	_ =	swait.ge [sflag:s10], $0x2000  }
0xb3: {  	[sflag:s10] =	ssyncset.done $0x0  }
0xb4: {  	[sflag:s10] =	ssyncadd.s32 $0xFFFFE000  }
0xb5: {  	_ =	swait.ge [sflag:s10], $0x2000  }
0xb6: {  	[sflag:s10] =	ssyncset.done $0x0  }
0xb7: {  	[sflag:s10] =	ssyncadd.s32 $0xFFFFE000  }
0xb8: {  	_ =	swait.ge [sflag:s10], $0x2000  }
0xb9: {  	[sflag:s10] =	ssyncset.done $0x0  }
0xba: {  	[sflag:s10] =	ssyncadd.s32 $0xFFFFE000  }
0xbb: {  	_ =	swait.ge [sflag:s10], $0x2000  }
0xbc: {  	[sflag:s10] =	ssyncset.done $0x0  }
0xbd: {  	[sflag:s10] =	ssyncadd.s32 $0xFFFFE000  }
0xbe: {  	_ =	swait.ge [sflag:s10], $0x2000  }
0xbf: {  	[sflag:s10] =	ssyncset.done $0x0  }
0xc0: {  	[sflag:s10] =	ssyncadd.s32 $0xFFFFE000  }
0xc1: {  	_ =	swait.ge [sflag:s10], $0x2000  }
0xc2: {  	[sflag:s10] =	ssyncset.done $0x0  }
0xc3: {  	[sflag:s10] =	ssyncadd.s32 $0xFFFFE000  }
0xc4: {  	[bflag:$0x0] =	sbarrier.arrive $0xFFFF  }
0xc5: {  	s18 =	rddreg [dreg:$0x9]  }
0xc6: {  	s19 =	rddreg [dreg:$0xd];
	s16 =	sor.u32 $0x1C05, s18  }
0xc7: {  	[hbm:s19@s0], [sflag:s16] =	dma.strided [spmem:s21@s31], $0x9C0, s30, $0x8   }
0xc8: {  	_ =	swait.ge [sflag:s11], $0x9C0  }
0xc9: {  	s17 =	simm.s32 @!p0 $0x1;
	s18 =	simm.s32 @!p0 $0x10;
	[sflag:s11] =	ssyncset.done $0x0  }
0xca: {  	s19 =	simm.s32 @!p0 $0x8;
	s20 =	rddreg [dreg:$0xf];
	[sflag:s11] =	ssyncadd.s32 $0xFFFFF640  }
0xcb: {  	[hbm:s20@s18], [sflag:s16] =	dma.strided @!p0 [spmem:s22@s19], $0x40, s17, $0x8   }
0xcc: {  	s16 =	simm.s32 @!p0 $0x5  }
0xcd: {  	_ =	swait.ge @!p0 [sflag:s16], $0x40  }
0xce: {  	s15 =	sadd.s32 $0x1, s15;
	s20 =	rddreg [dreg:$0x10]  }
0xcf: {  	p1 =	sne.s32 s15, s20  }
.Ltmp1:
0xd0: {  	_ = 	snop;
	(pc) =	sbr.rel @p1 .LBB2_1-.Ltmp1, $3  }
0xd1: {  	_ =	sdelay $0x1  }
0xd2: {  	[sflag:s16] =	ssyncset.done @!p0 $0x0  }
0xd3: {  	[sflag:s16] =	ssyncadd.s32 @!p0 $0xFFFFFFC0  }
0xd4: {  	_ =	sfence.sel $0x180000  }
0xd5: {  	[bflag:$0x0] =	sbarrier.arrive $0xFFFF  }
0xd6: {  	_ =	strace $0x90000047  }
0xd7: {  	[bflag:$0x2] =	sbarrier.arrive $0xFFFF  }
0xd8: {  	s0 =	rddreg [dreg:$0x3]  }
0xd9: {  	s0 =	sadd.s32 @!p0 $0x100000, s0  }
0xda: {  	[sflag:s0] =	ssyncadd.tile.s32 @!p0 $0x1;
	_ =	shalt  }
.Lfunc_end2:
_tile_overlayer_lowered:
.L_overlay_start_2:
0xdb: {  	(tag) =	ssettag $0x2  }
0xdc: {  	s0 =	rddreg [dreg:$0x0];
	s2 =	stileid.u32  }
0xdd: {  	s1 =	rddreg [dreg:$0x1];
	p0 =	sne.s32 s2, $0x0  }
0xde: {  	s3 =	rddreg [dreg:$0x2];
	[bflag:$0x3] =	sbarrier.arrive $0xFFFF;
	s2 =	simm.s32 @!p0 $0x1C05  }
0xdf: {  	[timem:s3], [sflag:s2] =	dma.local @!p0 [hbm:s0], s1  }
0xe0: {  	s0 =	simm.s32 @!p0 $0x5  }
0xe1: {  	_ =	swait.ge @!p0 [sflag:s0], s1  }
0xe2: {  	s1 =	ssub.s32 @!p0 $0x0, s1;
	[sflag:s0] =	ssyncset.done @!p0 $0x0  }
0xe3: {  	[sflag:s0] =	ssyncadd.s32 @!p0 s1  }
0xe4: {  	[bflag:$0x3] =	sbarrier.arrive $0xFFFF  }
0xe5: {  	_ =	shalt  }

</sc_bundles>
